<compile_context>
chip_gen: v7x
topology: tpu7x:2x2x1
jax: 0.10.2.dev20260603
libtpu: 0.0.44.dev20260713+nightly
codegen_flags: <defaults>
</compile_context>

<pallas_src>
import functools

import jax
import jax.numpy as jnp
from jax import lax
from jax.experimental import pallas as pl
from jax.experimental.pallas import tpu as pltpu
from jax.experimental.pallas import tpu_sc as plsc


@functools.partial(jax.jit, static_argnums=(4, 5))
def _segment_sum_sc(m, src3d, dst3d, zrows, NP, H):
    NW = 32
    CHT = src3d.shape[1]
    K = src3d.shape[2]
    SLAB = 8
    NSLAB = CHT // SLAB
    NT = 16
    RPT = NP // NT

    mesh = plsc.VectorSubcoreMesh(core_axis_name="c", subcore_axis_name="s")

    @functools.partial(
        pl.kernel,
        out_type=jax.ShapeDtypeStruct((2, NP, H), jnp.float32),
        mesh=mesh,
        scratch_types=[
            pltpu.VMEM((2, 2, SLAB, K), jnp.int32),
            pltpu.VMEM((2, K, H), jnp.float32),
            pltpu.VMEM_SHARED((NP, H), jnp.float32),
            pltpu.SemaphoreType.DMA,
            pltpu.SemaphoreType.DMA,
        ],
    )
    def seg_sum(m_hbm, src_hbm, dst_hbm, z_hbm, out_hbm, idx, rows,
                acc, gsem, isem):
        c = lax.axis_index("c")
        s = lax.axis_index("s")
        wid = s * 2 + c

        pltpu.sync_copy(z_hbm.at[pl.ds(s * RPT, RPT)],
                        acc.at[pl.ds(s * RPT, RPT)])

        pltpu.sync_copy(src_hbm.at[wid, pl.ds(0, SLAB)], idx.at[0, 0])
        pltpu.sync_copy(dst_hbm.at[wid, pl.ds(0, SLAB)], idx.at[1, 0])

        plsc.subcore_barrier()

        @pl.loop(0, NSLAB)
        def _(t):
            tb = t % 2

            @pl.when(t + 1 < NSLAB)
            def _():
                pltpu.async_copy(
                    src_hbm.at[wid, pl.ds((t + 1) * SLAB, SLAB)],
                    idx.at[0, 1 - tb], isem)
                pltpu.async_copy(
                    dst_hbm.at[wid, pl.ds((t + 1) * SLAB, SLAB)],
                    idx.at[1, 1 - tb], isem)

            for u in range(SLAB):
                b = u % 2
                pltpu.async_copy(m_hbm.at[idx.at[0, tb, u]],
                                 rows.at[b], gsem).wait()
                if u + 1 == SLAB:
                    @pl.when(t + 1 < NSLAB)
                    def _():
                        pltpu.make_async_copy(
                            src_hbm.at[wid, pl.ds((t + 1) * SLAB, SLAB)],
                            idx.at[0, 1 - tb], isem).wait()
                        pltpu.make_async_copy(
                            dst_hbm.at[wid, pl.ds((t + 1) * SLAB, SLAB)],
                            idx.at[1, 1 - tb], isem).wait()

                pltpu.sync_copy(rows.at[b], acc.at[idx.at[1, tb, u]],
                                add=True)

        plsc.subcore_barrier()

        pltpu.sync_copy(acc.at[pl.ds(s * RPT, RPT)],
                        out_hbm.at[c, pl.ds(s * RPT, RPT)])

    return seg_sum(m, src3d, dst3d, zrows)


def _matmul_in(x, W_in, BN=2000):
    N, F = x.shape
    H = W_in.shape[1]

    def body(x_ref, w_ref, o_ref):
        o_ref[...] = jnp.dot(x_ref[...], w_ref[...],
                             preferred_element_type=jnp.float32)

    return pl.pallas_call(
        body,
        grid=(N // BN,),
        in_specs=[
            pl.BlockSpec((BN, F), lambda i: (i, 0)),
            pl.BlockSpec((F, H), lambda i: (0, 0)),
        ],
        out_specs=pl.BlockSpec((BN, H), lambda i: (i, 0)),
        out_shape=jax.ShapeDtypeStruct((N, H), jnp.float32),
    )(x, W_in)


def _gru_layer(p, h, W_ihT, W_hhT, b_ih2, b_hh2, W_out=None,
               BN=2000):
    N, H = h.shape
    final = W_out is not None
    CO = W_out.shape[1] if final else H

    def body(p0_ref, p1_ref, h_ref, wih_ref, whh_ref, bi_ref, bh_ref,
             *rest):
        if final:
            wout_ref, o_ref = rest
        else:
            (o_ref,) = rest
        hv = h_ref[...]
        agg = p0_ref[0] + p1_ref[0]
        gi = jnp.dot(agg, wih_ref[...],
                     preferred_element_type=jnp.float32) + bi_ref[...]
        gh = jnp.dot(hv, whh_ref[...],
                     preferred_element_type=jnp.float32) + bh_ref[...]
        r = jax.nn.sigmoid(gi[:, :H] + gh[:, :H])
        z = jax.nn.sigmoid(gi[:, H:2 * H] + gh[:, H:2 * H])
        n = jnp.tanh(gi[:, 2 * H:] + r * gh[:, 2 * H:])
        hn = (1.0 - z) * n + z * hv
        if final:
            o_ref[...] = jnp.dot(hn, wout_ref[...],
                                 preferred_element_type=jnp.float32)
        else:
            o_ref[...] = hn

    in_specs = [
        pl.BlockSpec((1, BN, H), lambda i: (0, i, 0)),
        pl.BlockSpec((1, BN, H), lambda i: (1, i, 0)),
        pl.BlockSpec((BN, H), lambda i: (i, 0)),
        pl.BlockSpec((H, 3 * H), lambda i: (0, 0)),
        pl.BlockSpec((H, 3 * H), lambda i: (0, 0)),
        pl.BlockSpec((1, 3 * H), lambda i: (0, 0)),
        pl.BlockSpec((1, 3 * H), lambda i: (0, 0)),
    ]
    args = [p, p, h, W_ihT, W_hhT, b_ih2, b_hh2]
    if final:
        in_specs.append(pl.BlockSpec((H, CO), lambda i: (0, 0)))
        args.append(W_out)

    return pl.pallas_call(
        body,
        grid=(N // BN,),
        in_specs=in_specs,
        out_specs=pl.BlockSpec((BN, CO), lambda i: (i, 0)),
        out_shape=jax.ShapeDtypeStruct((N, CO), jnp.float32),
    )(*args)


def kernel(x, adjs, W_in, W_layers, W_ih, W_hh, b_ih, b_hh, W_out):
    N, F = x.shape
    H = W_in.shape[1]
    E = adjs.shape[1]
    L = W_layers.shape[0]

    NW, K, CHT = 32, 128, 80
    EPW = E // NW
    PAD = CHT * K - EPW
    NP = 16 * 632
    srcw = adjs[0].reshape(NW, EPW)
    dstw = adjs[1].reshape(NW, EPW)
    src3d = jnp.concatenate(
        [srcw, jnp.zeros((NW, PAD), jnp.int32)], axis=1).reshape(NW, CHT, K)
    dst3d = jnp.concatenate(
        [dstw, jnp.full((NW, PAD), N, jnp.int32)], axis=1).reshape(NW, CHT, K)
    zrows = jnp.zeros((NP, H), jnp.float32)

    W_ihT = W_ih.T.astype(jnp.float32)
    W_hhT = W_hh.T.astype(jnp.float32)
    b_ih2 = b_ih.reshape(1, -1)
    b_hh2 = b_hh.reshape(1, -1)

    h = _matmul_in(x, W_in)
    out = None
    for l in range(L):
        m = _matmul_in(h, W_layers[l])
        p = _segment_sum_sc(m, src3d, dst3d, zrows, NP, H)
        res = _gru_layer(p, h, W_ihT, W_hhT,
                         b_ih2, b_hh2, W_out if l == L - 1 else None)
        if l == L - 1:
            out = res
        else:
            h = res
    return out

# --- scband reference (transcript-rebuilt; emitter-appended) ---
"""Pipeline reference for scband-ggnn-74440373174924 (READ-ONLY COPY).

The authoritative reference and input builder live on the scoring server;
editing this copy changes nothing except your own understanding.
"""

import jax, jax.numpy as jnp
import numpy as np

N = 10000
E = 320000
F = 128
H = 128
C = 64
L = 3


def setup_inputs(seed: int = 0) -> dict:
    key = jax.random.key(seed)
    ks = jax.random.split(key, 10)
    x = jax.random.normal(ks[0], (N, F), dtype=jnp.float32)
    adjs = jax.random.randint(ks[1], (2, E), 0, N, dtype=jnp.int32)
    s_in = float(np.sqrt(6.0 / (F + H)))
    s_w = float(np.sqrt(6.0 / (H + H)))
    s_out = float(np.sqrt(6.0 / (H + C)))
    W_in = jax.random.uniform(ks[2], (F, H), dtype=jnp.float32, minval=-s_in, maxval=s_in)
    W_layers = jax.random.uniform(ks[3], (L, H, H), dtype=jnp.float32, minval=-s_w, maxval=s_w)
    s_gru = float(1.0 / np.sqrt(H))
    W_ih = jax.random.uniform(ks[4], (3 * H, H), dtype=jnp.float32, minval=-s_gru, maxval=s_gru)
    W_hh = jax.random.uniform(ks[5], (3 * H, H), dtype=jnp.float32, minval=-s_gru, maxval=s_gru)
    b_ih = jax.random.uniform(ks[6], (3 * H,), dtype=jnp.float32, minval=-s_gru, maxval=s_gru)
    b_hh = jax.random.uniform(ks[7], (3 * H,), dtype=jnp.float32, minval=-s_gru, maxval=s_gru)
    W_out = jax.random.uniform(ks[8], (H, C), dtype=jnp.float32, minval=-s_out, maxval=s_out)
    return {"x": x, "adjs": adjs, "W_in": W_in, "W_layers": W_layers, "W_ih": W_ih, "W_hh": W_hh, "b_ih": b_ih, "b_hh": b_hh, "W_out": W_out}


def reference(x, adjs, W_in, W_layers, W_ih, W_hh, b_ih, b_hh, W_out):
    # input transform
    h = x @ W_in
    src = adjs[0]
    dst = adjs[1]
    # GatedGraphConv: L propagation steps with GRU update
    for l in range(L):
        m = h @ W_layers[l]
        # message: m[src], aggregate: scatter-add at dst
        agg = jnp.zeros((N, H), dtype=h.dtype).at[dst].add(m[src])
        # GRUCell(agg, h)
        gi = agg @ W_ih.T + b_ih
        gh = h @ W_hh.T + b_hh
        i_r, i_z, i_n = jnp.split(gi, 3, axis=1)
        h_r, h_z, h_n = jnp.split(gh, 3, axis=1)
        r = jax.nn.sigmoid(i_r + h_r)
        z = jax.nn.sigmoid(i_z + h_z)
        n = jnp.tanh(i_n + r * h_n)
        h = (1.0 - z) * n + z * h
    # output transform
    out = h @ W_out
    return out

if __name__ == "__main__":
    import jax
    _d = setup_inputs()
    print(jax.jit(kernel)(*tuple(_d.values())))

</pallas_src>

<mosaic_0001>
#map = affine_map<(d0, d1) -> (0, 0)>
#map1 = affine_map<(d0, d1) -> (0, 0, 0)>
module attributes {stable_mosaic.version = 14 : i64} {
  func.func @seg_sum(%arg0: i32, %arg1: i32, %arg2: memref<10000x128xf32, #tpu.memory_space<hbm>>, %arg3: memref<32x80x128xi32, #tpu.memory_space<hbm>>, %arg4: memref<32x80x128xi32, #tpu.memory_space<hbm>>, %arg5: memref<10112x128xf32, #tpu.memory_space<hbm>>, %arg6: memref<2x10112x128xf32, #tpu.memory_space<hbm>>, %arg7: memref<2x2x8x128xi32, #tpu.memory_space<vmem>>, %arg8: memref<2x128x128xf32, #tpu.memory_space<vmem>>, %arg9: memref<10112x128xf32, #tpu.memory_space<vmem_shared>>, %arg10: memref<!tpu.dma_semaphore, #tpu.memory_space<semaphore_mem>>, %arg11: memref<!tpu.dma_semaphore, #tpu.memory_space<semaphore_mem>>) attributes {dimension_semantics = [#tpu.dimension_semantics<core_parallel>, #tpu.dimension_semantics<subcore_parallel>], iteration_bounds = array<i64: 2, 16>, scalar_prefetch = 0 : i64, scratch_operands = 5 : i64, tpu.core_type = #tpu.core_type<sc_vector_subcore>, window_params = [{transform_indices = #map}, {transform_indices = #map1}, {transform_indices = #map1}, {transform_indices = #map}, {transform_indices = #map1}]} {
    %mul3A = arith.constant 2 : i32
    %mul3A_0 = arith.muli %arg1, %mul3A : i32
    %add3A = arith.addi %mul3A_0, %arg0 : i32
    %mul3A_1 = arith.constant 632 : i32
    %mul3A_2 = arith.muli %arg1, %mul3A_1 : i32
    %mul3A_3 = arith.constant 632 : i32
    %mul3A_4 = arith.muli %arg1, %mul3A_3 : i32
    "tpu.region"() ({
      %run_scoped3A_17 = tpu.sem_alloc : memref<!tpu.dma_semaphore, #tpu.memory_space<semaphore_mem>>
      %dma_start3A = arith.constant 0 : i32
      %dma_start3A_18 = tpu.memref_slice %arg9[%mul3A_4, %dma_start3A] : memref<10112x128xf32, #tpu.memory_space<vmem_shared>> -> memref<632x128xf32, #tpu.memory_space<vmem_shared>>
      %dma_start3A_19 = arith.constant 0 : i32
      %dma_start3A_20 = tpu.memref_slice %arg5[%mul3A_2, %dma_start3A_19] : memref<10112x128xf32, #tpu.memory_space<hbm>> -> memref<632x128xf32, #tpu.memory_space<hbm>>
      tpu.enqueue_dma source(%dma_start3A_20 : memref<632x128xf32, #tpu.memory_space<hbm>>) target(%dma_start3A_18 : memref<632x128xf32, #tpu.memory_space<vmem_shared>>) target_semaphore(%run_scoped3A_17 : memref<!tpu.dma_semaphore, #tpu.memory_space<semaphore_mem>>)
      %dma_wait3A = arith.constant 0 : i32
      %dma_wait3A_21 = tpu.memref_slice %arg9[%mul3A_4, %dma_wait3A] : memref<10112x128xf32, #tpu.memory_space<vmem_shared>> -> memref<632x128xf32, #tpu.memory_space<vmem_shared>>
      %dma_wait3A_22 = arith.constant 0 : i32
      %dma_wait3A_23 = tpu.memref_slice %arg5[%mul3A_2, %dma_wait3A_22] : memref<10112x128xf32, #tpu.memory_space<hbm>> -> memref<632x128xf32, #tpu.memory_space<hbm>>
      tpu.wait_dma2 semaphore(%run_scoped3A_17 : memref<!tpu.dma_semaphore, #tpu.memory_space<semaphore_mem>>) src(%dma_wait3A_23 : memref<632x128xf32, #tpu.memory_space<hbm>>) dst(%dma_wait3A_21 : memref<632x128xf32, #tpu.memory_space<vmem_shared>>)
      tpu.yield
    }) : () -> ()
    %run_scoped3A = arith.constant 0 : i32
    %run_scoped3A_5 = arith.constant 0 : i32
    "tpu.region"() ({
      %run_scoped3A_17 = tpu.sem_alloc : memref<!tpu.dma_semaphore, #tpu.memory_space<semaphore_mem>>
      %dma_start3A = arith.constant 0 : i32
      %dma_start3A_18 = arith.constant 0 : i32
      %dma_start3A_19 = tpu.memref_slice %arg7[%run_scoped3A, %run_scoped3A_5, %dma_start3A, %dma_start3A_18] : memref<2x2x8x128xi32, #tpu.memory_space<vmem>> -> memref<1x1x8x128xi32, #tpu.memory_space<vmem>>
      %dma_start3A_20 = tpu.memref_squeeze %dma_start3A_19 : memref<1x1x8x128xi32, #tpu.memory_space<vmem>> -> memref<8x128xi32, #tpu.memory_space<vmem>>
      %dma_start3A_21 = arith.constant 0 : i32
      %dma_start3A_22 = arith.constant 0 : i32
      %dma_start3A_23 = tpu.memref_slice %arg3[%add3A, %dma_start3A_21, %dma_start3A_22] : memref<32x80x128xi32, #tpu.memory_space<hbm>> -> memref<1x8x128xi32, #tpu.memory_space<hbm>>
      %dma_start3A_24 = tpu.memref_squeeze %dma_start3A_23 : memref<1x8x128xi32, #tpu.memory_space<hbm>> -> memref<8x128xi32, #tpu.memory_space<hbm>>
      %dma_start3A_25 = arith.constant 0 : i32
      %dma_start3A_26 = arith.constant 0 : i32
      %dma_start3A_27 = tpu.memref_slice %arg7[%run_scoped3A, %run_scoped3A_5, %dma_start3A_25, %dma_start3A_26] : memref<2x2x8x128xi32, #tpu.memory_space<vmem>> -> memref<1x1x8x128xi32, #tpu.memory_space<vmem>>
      %dma_start3A_28 = tpu.memref_squeeze %dma_start3A_27 : memref<1x1x8x128xi32, #tpu.memory_space<vmem>> -> memref<8x128xi32, #tpu.memory_space<vmem>>
      %dma_start3A_29 = arith.constant 0 : i32
      %dma_start3A_30 = arith.constant 0 : i32
      %dma_start3A_31 = tpu.memref_slice %arg3[%add3A, %dma_start3A_29, %dma_start3A_30] : memref<32x80x128xi32, #tpu.memory_space<hbm>> -> memref<1x8x128xi32, #tpu.memory_space<hbm>>
      %dma_start3A_32 = tpu.memref_squeeze %dma_start3A_31 : memref<1x8x128xi32, #tpu.memory_space<hbm>> -> memref<8x128xi32, #tpu.memory_space<hbm>>
      tpu.enqueue_dma source(%dma_start3A_32 : memref<8x128xi32, #tpu.memory_space<hbm>>) target(%dma_start3A_28 : memref<8x128xi32, #tpu.memory_space<vmem>>) target_semaphore(%run_scoped3A_17 : memref<!tpu.dma_semaphore, #tpu.memory_space<semaphore_mem>>)
      %dma_wait3A = arith.constant 0 : i32
      %dma_wait3A_33 = arith.constant 0 : i32
      %dma_wait3A_34 = tpu.memref_slice %arg7[%run_scoped3A, %run_scoped3A_5, %dma_wait3A, %dma_wait3A_33] : memref<2x2x8x128xi32, #tpu.memory_space<vmem>> -> memref<1x1x8x128xi32, #tpu.memory_space<vmem>>
      %dma_wait3A_35 = tpu.memref_squeeze %dma_wait3A_34 : memref<1x1x8x128xi32, #tpu.memory_space<vmem>> -> memref<8x128xi32, #tpu.memory_space<vmem>>
      %dma_wait3A_36 = arith.constant 0 : i32
      %dma_wait3A_37 = arith.constant 0 : i32
      %dma_wait3A_38 = tpu.memref_slice %arg3[%add3A, %dma_wait3A_36, %dma_wait3A_37] : memref<32x80x128xi32, #tpu.memory_space<hbm>> -> memref<1x8x128xi32, #tpu.memory_space<hbm>>
      %dma_wait3A_39 = tpu.memref_squeeze %dma_wait3A_38 : memref<1x8x128xi32, #tpu.memory_space<hbm>> -> memref<8x128xi32, #tpu.memory_space<hbm>>
      %dma_wait3A_40 = arith.constant 0 : i32
      %dma_wait3A_41 = arith.constant 0 : i32
      %dma_wait3A_42 = tpu.memref_slice %arg7[%run_scoped3A, %run_scoped3A_5, %dma_wait3A_40, %dma_wait3A_41] : memref<2x2x8x128xi32, #tpu.memory_space<vmem>> -> memref<1x1x8x128xi32, #tpu.memory_space<vmem>>
      %dma_wait3A_43 = tpu.memref_squeeze %dma_wait3A_42 : memref<1x1x8x128xi32, #tpu.memory_space<vmem>> -> memref<8x128xi32, #tpu.memory_space<vmem>>
      %dma_wait3A_44 = arith.constant 0 : i32
      %dma_wait3A_45 = arith.constant 0 : i32
      %dma_wait3A_46 = tpu.memref_slice %arg3[%add3A, %dma_wait3A_44, %dma_wait3A_45] : memref<32x80x128xi32, #tpu.memory_space<hbm>> -> memref<1x8x128xi32, #tpu.memory_space<hbm>>
      %dma_wait3A_47 = tpu.memref_squeeze %dma_wait3A_46 : memref<1x8x128xi32, #tpu.memory_space<hbm>> -> memref<8x128xi32, #tpu.memory_space<hbm>>
      tpu.wait_dma2 semaphore(%run_scoped3A_17 : memref<!tpu.dma_semaphore, #tpu.memory_space<semaphore_mem>>) src(%dma_wait3A_47 : memref<8x128xi32, #tpu.memory_space<hbm>>) dst(%dma_wait3A_43 : memref<8x128xi32, #tpu.memory_space<vmem>>)
      tpu.yield
    }) : () -> ()
    %run_scoped3A_6 = arith.constant 1 : i32
    %run_scoped3A_7 = arith.constant 0 : i32
    "tpu.region"() ({
      %run_scoped3A_17 = tpu.sem_alloc : memref<!tpu.dma_semaphore, #tpu.memory_space<semaphore_mem>>
      %dma_start3A = arith.constant 0 : i32
      %dma_start3A_18 = arith.constant 0 : i32
      %dma_start3A_19 = tpu.memref_slice %arg7[%run_scoped3A_6, %run_scoped3A_7, %dma_start3A, %dma_start3A_18] : memref<2x2x8x128xi32, #tpu.memory_space<vmem>> -> memref<1x1x8x128xi32, #tpu.memory_space<vmem>>
      %dma_start3A_20 = tpu.memref_squeeze %dma_start3A_19 : memref<1x1x8x128xi32, #tpu.memory_space<vmem>> -> memref<8x128xi32, #tpu.memory_space<vmem>>
      %dma_start3A_21 = arith.constant 0 : i32
      %dma_start3A_22 = arith.constant 0 : i32
      %dma_start3A_23 = tpu.memref_slice %arg4[%add3A, %dma_start3A_21, %dma_start3A_22] : memref<32x80x128xi32, #tpu.memory_space<hbm>> -> memref<1x8x128xi32, #tpu.memory_space<hbm>>
      %dma_start3A_24 = tpu.memref_squeeze %dma_start3A_23 : memref<1x8x128xi32, #tpu.memory_space<hbm>> -> memref<8x128xi32, #tpu.memory_space<hbm>>
      %dma_start3A_25 = arith.constant 0 : i32
      %dma_start3A_26 = arith.constant 0 : i32
      %dma_start3A_27 = tpu.memref_slice %arg7[%run_scoped3A_6, %run_scoped3A_7, %dma_start3A_25, %dma_start3A_26] : memref<2x2x8x128xi32, #tpu.memory_space<vmem>> -> memref<1x1x8x128xi32, #tpu.memory_space<vmem>>
      %dma_start3A_28 = tpu.memref_squeeze %dma_start3A_27 : memref<1x1x8x128xi32, #tpu.memory_space<vmem>> -> memref<8x128xi32, #tpu.memory_space<vmem>>
      %dma_start3A_29 = arith.constant 0 : i32
      %dma_start3A_30 = arith.constant 0 : i32
      %dma_start3A_31 = tpu.memref_slice %arg4[%add3A, %dma_start3A_29, %dma_start3A_30] : memref<32x80x128xi32, #tpu.memory_space<hbm>> -> memref<1x8x128xi32, #tpu.memory_space<hbm>>
      %dma_start3A_32 = tpu.memref_squeeze %dma_start3A_31 : memref<1x8x128xi32, #tpu.memory_space<hbm>> -> memref<8x128xi32, #tpu.memory_space<hbm>>
      tpu.enqueue_dma source(%dma_start3A_32 : memref<8x128xi32, #tpu.memory_space<hbm>>) target(%dma_start3A_28 : memref<8x128xi32, #tpu.memory_space<vmem>>) target_semaphore(%run_scoped3A_17 : memref<!tpu.dma_semaphore, #tpu.memory_space<semaphore_mem>>)
      %dma_wait3A = arith.constant 0 : i32
      %dma_wait3A_33 = arith.constant 0 : i32
      %dma_wait3A_34 = tpu.memref_slice %arg7[%run_scoped3A_6, %run_scoped3A_7, %dma_wait3A, %dma_wait3A_33] : memref<2x2x8x128xi32, #tpu.memory_space<vmem>> -> memref<1x1x8x128xi32, #tpu.memory_space<vmem>>
      %dma_wait3A_35 = tpu.memref_squeeze %dma_wait3A_34 : memref<1x1x8x128xi32, #tpu.memory_space<vmem>> -> memref<8x128xi32, #tpu.memory_space<vmem>>
      %dma_wait3A_36 = arith.constant 0 : i32
      %dma_wait3A_37 = arith.constant 0 : i32
      %dma_wait3A_38 = tpu.memref_slice %arg4[%add3A, %dma_wait3A_36, %dma_wait3A_37] : memref<32x80x128xi32, #tpu.memory_space<hbm>> -> memref<1x8x128xi32, #tpu.memory_space<hbm>>
      %dma_wait3A_39 = tpu.memref_squeeze %dma_wait3A_38 : memref<1x8x128xi32, #tpu.memory_space<hbm>> -> memref<8x128xi32, #tpu.memory_space<hbm>>
      %dma_wait3A_40 = arith.constant 0 : i32
      %dma_wait3A_41 = arith.constant 0 : i32
      %dma_wait3A_42 = tpu.memref_slice %arg7[%run_scoped3A_6, %run_scoped3A_7, %dma_wait3A_40, %dma_wait3A_41] : memref<2x2x8x128xi32, #tpu.memory_space<vmem>> -> memref<1x1x8x128xi32, #tpu.memory_space<vmem>>
      %dma_wait3A_43 = tpu.memref_squeeze %dma_wait3A_42 : memref<1x1x8x128xi32, #tpu.memory_space<vmem>> -> memref<8x128xi32, #tpu.memory_space<vmem>>
      %dma_wait3A_44 = arith.constant 0 : i32
      %dma_wait3A_45 = arith.constant 0 : i32
      %dma_wait3A_46 = tpu.memref_slice %arg4[%add3A, %dma_wait3A_44, %dma_wait3A_45] : memref<32x80x128xi32, #tpu.memory_space<hbm>> -> memref<1x8x128xi32, #tpu.memory_space<hbm>>
      %dma_wait3A_47 = tpu.memref_squeeze %dma_wait3A_46 : memref<1x8x128xi32, #tpu.memory_space<hbm>> -> memref<8x128xi32, #tpu.memory_space<hbm>>
      tpu.wait_dma2 semaphore(%run_scoped3A_17 : memref<!tpu.dma_semaphore, #tpu.memory_space<semaphore_mem>>) src(%dma_wait3A_47 : memref<8x128xi32, #tpu.memory_space<hbm>>) dst(%dma_wait3A_43 : memref<8x128xi32, #tpu.memory_space<vmem>>)
      tpu.yield
    }) : () -> ()
    %barrier3A = arith.constant 0 : index
    tpu.barrier barrier_id(%barrier3A)
    %scan3A = arith.constant 0 : i32
    %scan3A_8 = arith.constant 10 : i32
    %scan3A_9 = arith.addi %scan3A, %scan3A_8 : i32
    %scan3A_10 = arith.constant 1 : i32
    scf.for %scan3A_17 = %scan3A to %scan3A_9 step %scan3A_10  : i32 {
      %mul3A_18 = arith.constant 1 : i32
      %mul3A_19 = arith.muli %scan3A_17, %mul3A_18 : i32
      %add3A_20 = arith.constant 0 : i32
      %add3A_21 = arith.addi %add3A_20, %mul3A_19 : i32
      %jit3A = arith.constant 2 : i32
      %eq3A = arith.constant 0 : i32
      %eq3A_22 = arith.cmpi eq, %jit3A, %eq3A : i32
      %jit3A_23 = arith.constant 1 : i32
      %select_n3A = arith.select %eq3A_22, %jit3A_23, %jit3A : i32
      %rem3A = arith.remsi %add3A_21, %select_n3A : i32
      %ne3A = arith.constant 0 : i32
      %ne3A_24 = arith.cmpi ne, %rem3A, %ne3A : i32
      %lt3A = arith.constant 0 : i32
      %lt3A_25 = arith.cmpi slt, %rem3A, %lt3A : i32
      %lt3A_26 = arith.constant 0 : i32
      %lt3A_27 = arith.cmpi slt, %select_n3A, %lt3A_26 : i32
      %ne3A_28 = arith.xori %lt3A_25, %lt3A_27 : i1
      %and3A = arith.andi %ne3A_28, %ne3A_24 : i1
      %add3A_29 = arith.addi %rem3A, %select_n3A : i32
      %select_n3A_30 = arith.select %and3A, %add3A_29, %rem3A : i32
      %add3A_31 = arith.constant 1 : i32
      %add3A_32 = arith.addi %add3A_21, %add3A_31 : i32
      %lt3A_33 = arith.constant 10 : i32
      %lt3A_34 = arith.cmpi slt, %add3A_32, %lt3A_33 : i32
      %convert_element_type3A = arith.extui %lt3A_34 : i1 to i32
      %cond3A = arith.constant 0 : i32
      %cond3A_35 = arith.cmpi ne, %convert_element_type3A, %cond3A : i32
      scf.if %cond3A_35 {
        %add3A_273 = arith.constant 1 : i32
        %add3A_274 = arith.addi %add3A_21, %add3A_273 : i32
        %mul3A_275 = arith.constant 8 : i32
        %mul3A_276 = arith.muli %add3A_274, %mul3A_275 : i32
        %sub3A = arith.constant 1 : i32
        %sub3A_277 = arith.subi %sub3A, %select_n3A_30 : i32
        %dma_start3A_278 = arith.constant 0 : i32
        %dma_start3A_279 = arith.constant 0 : i32
        %dma_start3A_280 = arith.constant 0 : i32
        %dma_start3A_281 = tpu.memref_slice %arg7[%dma_start3A_278, %sub3A_277, %dma_start3A_279, %dma_start3A_280] : memref<2x2x8x128xi32, #tpu.memory_space<vmem>> -> memref<1x1x8x128xi32, #tpu.memory_space<vmem>>
        %dma_start3A_282 = tpu.memref_squeeze %dma_start3A_281 : memref<1x1x8x128xi32, #tpu.memory_space<vmem>> -> memref<8x128xi32, #tpu.memory_space<vmem>>
        %dma_start3A_283 = arith.constant 0 : i32
        %dma_start3A_284 = tpu.memref_slice %arg3[%add3A, %mul3A_276, %dma_start3A_283] : memref<32x80x128xi32, #tpu.memory_space<hbm>> -> memref<1x8x128xi32, #tpu.memory_space<hbm>>
        %dma_start3A_285 = tpu.memref_squeeze %dma_start3A_284 : memref<1x8x128xi32, #tpu.memory_space<hbm>> -> memref<8x128xi32, #tpu.memory_space<hbm>>
        %dma_start3A_286 = arith.constant 0 : i32
        %dma_start3A_287 = arith.constant 0 : i32
        %dma_start3A_288 = tpu.memref_slice %arg7[%dma_start3A_278, %sub3A_277, %dma_start3A_286, %dma_start3A_287] : memref<2x2x8x128xi32, #tpu.memory_space<vmem>> -> memref<1x1x8x128xi32, #tpu.memory_space<vmem>>
        %dma_start3A_289 = tpu.memref_squeeze %dma_start3A_288 : memref<1x1x8x128xi32, #tpu.memory_space<vmem>> -> memref<8x128xi32, #tpu.memory_space<vmem>>
        %dma_start3A_290 = arith.constant 0 : i32
        %dma_start3A_291 = tpu.memref_slice %arg3[%add3A, %mul3A_276, %dma_start3A_290] : memref<32x80x128xi32, #tpu.memory_space<hbm>> -> memref<1x8x128xi32, #tpu.memory_space<hbm>>
        %dma_start3A_292 = tpu.memref_squeeze %dma_start3A_291 : memref<1x8x128xi32, #tpu.memory_space<hbm>> -> memref<8x128xi32, #tpu.memory_space<hbm>>
        tpu.enqueue_dma source(%dma_start3A_292 : memref<8x128xi32, #tpu.memory_space<hbm>>) target(%dma_start3A_289 : memref<8x128xi32, #tpu.memory_space<vmem>>) target_semaphore(%arg11 : memref<!tpu.dma_semaphore, #tpu.memory_space<semaphore_mem>>)
        %add3A_293 = arith.constant 1 : i32
        %add3A_294 = arith.addi %add3A_21, %add3A_293 : i32
        %mul3A_295 = arith.constant 8 : i32
        %mul3A_296 = arith.muli %add3A_294, %mul3A_295 : i32
        %sub3A_297 = arith.constant 1 : i32
        %sub3A_298 = arith.subi %sub3A_297, %select_n3A_30 : i32
        %dma_start3A_299 = arith.constant 1 : i32
        %dma_start3A_300 = arith.constant 0 : i32
        %dma_start3A_301 = arith.constant 0 : i32
        %dma_start3A_302 = tpu.memref_slice %arg7[%dma_start3A_299, %sub3A_298, %dma_start3A_300, %dma_start3A_301] : memref<2x2x8x128xi32, #tpu.memory_space<vmem>> -> memref<1x1x8x128xi32, #tpu.memory_space<vmem>>
        %dma_start3A_303 = tpu.memref_squeeze %dma_start3A_302 : memref<1x1x8x128xi32, #tpu.memory_space<vmem>> -> memref<8x128xi32, #tpu.memory_space<vmem>>
        %dma_start3A_304 = arith.constant 0 : i32
        %dma_start3A_305 = tpu.memref_slice %arg4[%add3A, %mul3A_296, %dma_start3A_304] : memref<32x80x128xi32, #tpu.memory_space<hbm>> -> memref<1x8x128xi32, #tpu.memory_space<hbm>>
        %dma_start3A_306 = tpu.memref_squeeze %dma_start3A_305 : memref<1x8x128xi32, #tpu.memory_space<hbm>> -> memref<8x128xi32, #tpu.memory_space<hbm>>
        %dma_start3A_307 = arith.constant 0 : i32
        %dma_start3A_308 = arith.constant 0 : i32
        %dma_start3A_309 = tpu.memref_slice %arg7[%dma_start3A_299, %sub3A_298, %dma_start3A_307, %dma_start3A_308] : memref<2x2x8x128xi32, #tpu.memory_space<vmem>> -> memref<1x1x8x128xi32, #tpu.memory_space<vmem>>
        %dma_start3A_310 = tpu.memref_squeeze %dma_start3A_309 : memref<1x1x8x128xi32, #tpu.memory_space<vmem>> -> memref<8x128xi32, #tpu.memory_space<vmem>>
        %dma_start3A_311 = arith.constant 0 : i32
        %dma_start3A_312 = tpu.memref_slice %arg4[%add3A, %mul3A_296, %dma_start3A_311] : memref<32x80x128xi32, #tpu.memory_space<hbm>> -> memref<1x8x128xi32, #tpu.memory_space<hbm>>
        %dma_start3A_313 = tpu.memref_squeeze %dma_start3A_312 : memref<1x8x128xi32, #tpu.memory_space<hbm>> -> memref<8x128xi32, #tpu.memory_space<hbm>>
        tpu.enqueue_dma source(%dma_start3A_313 : memref<8x128xi32, #tpu.memory_space<hbm>>) target(%dma_start3A_310 : memref<8x128xi32, #tpu.memory_space<vmem>>) target_semaphore(%arg11 : memref<!tpu.dma_semaphore, #tpu.memory_space<semaphore_mem>>)
      } else {
      }
      %dma_start3A = arith.constant 0 : i32
      %dma_start3A_36 = arith.constant 0 : i32
      %dma_start3A_37 = arith.constant 0 : i32
      %dma_start3A_38 = arith.constant 0 : i32
      %dma_start3A_39 = arith.constant 0 : i32
      %dma_start3A_40 = tpu.memref_slice %arg8[%dma_start3A_37, %dma_start3A_38, %dma_start3A_39] : memref<2x128x128xf32, #tpu.memory_space<vmem>> -> memref<1x128x128xf32, #tpu.memory_space<vmem>>
      %dma_start3A_41 = tpu.memref_squeeze %dma_start3A_40 : memref<1x128x128xf32, #tpu.memory_space<vmem>> -> memref<128x128xf32, #tpu.memory_space<vmem>>
      %dma_start3A_42 = arith.constant 0 : i32
      %dma_start3A_43 = tpu.memref_slice %arg7[%dma_start3A, %select_n3A_30, %dma_start3A_36, %dma_start3A_42] : memref<2x2x8x128xi32, #tpu.memory_space<vmem>> -> memref<1x1x1x128xi32, #tpu.memory_space<vmem>>
      %dma_start3A_44 = tpu.memref_squeeze %dma_start3A_43 : memref<1x1x1x128xi32, #tpu.memory_space<vmem>> -> memref<128xi32, #tpu.memory_space<vmem>>
      %dma_start3A_45 = arith.constant 0 : i32
      %dma_start3A_46 = arith.constant 0 : i32
      %dma_start3A_47 = tpu.memref_slice %arg2[%dma_start3A_45, %dma_start3A_46] : memref<10000x128xf32, #tpu.memory_space<hbm>> -> memref<10000x128xf32, #tpu.memory_space<hbm>>
      tpu.enqueue_indirect_dma source(%dma_start3A_47 : memref<10000x128xf32, #tpu.memory_space<hbm>>) target(%dma_start3A_41 : memref<128x128xf32, #tpu.memory_space<vmem>>) offsets(%dma_start3A_44 : memref<128xi32, #tpu.memory_space<vmem>>) semaphore(%arg10 : memref<!tpu.dma_semaphore, #tpu.memory_space<semaphore_mem>>)
      %dma_wait3A = arith.constant 0 : i32
      %dma_wait3A_48 = arith.constant 0 : i32
      %dma_wait3A_49 = arith.constant 0 : i32
      %dma_wait3A_50 = arith.constant 0 : i32
      %dma_wait3A_51 = arith.constant 0 : i32
      %dma_wait3A_52 = tpu.memref_slice %arg8[%dma_wait3A_49, %dma_wait3A_50, %dma_wait3A_51] : memref<2x128x128xf32, #tpu.memory_space<vmem>> -> memref<1x128x128xf32, #tpu.memory_space<vmem>>
      %dma_wait3A_53 = tpu.memref_squeeze %dma_wait3A_52 : memref<1x128x128xf32, #tpu.memory_space<vmem>> -> memref<128x128xf32, #tpu.memory_space<vmem>>
      %dma_wait3A_54 = arith.constant 0 : i32
      %dma_wait3A_55 = tpu.memref_slice %arg7[%dma_wait3A, %select_n3A_30, %dma_wait3A_48, %dma_wait3A_54] : memref<2x2x8x128xi32, #tpu.memory_space<vmem>> -> memref<1x1x1x128xi32, #tpu.memory_space<vmem>>
      %dma_wait3A_56 = tpu.memref_squeeze %dma_wait3A_55 : memref<1x1x1x128xi32, #tpu.memory_space<vmem>> -> memref<128xi32, #tpu.memory_space<vmem>>
      %dma_wait3A_57 = arith.constant 0 : i32
      %dma_wait3A_58 = arith.constant 0 : i32
      %dma_wait3A_59 = tpu.memref_slice %arg2[%dma_wait3A_57, %dma_wait3A_58] : memref<10000x128xf32, #tpu.memory_space<hbm>> -> memref<10000x128xf32, #tpu.memory_space<hbm>>
      tpu.wait_indirect_dma semaphore(%arg10 : memref<!tpu.dma_semaphore, #tpu.memory_space<semaphore_mem>>) src(%dma_wait3A_59 : memref<10000x128xf32, #tpu.memory_space<hbm>>) dst(%dma_wait3A_53 : memref<128x128xf32, #tpu.memory_space<vmem>>)
      %run_scoped3A_60 = arith.constant 0 : i32
      %run_scoped3A_61 = arith.constant 1 : i32
      %run_scoped3A_62 = arith.constant 0 : i32
      "tpu.region"() ({
        %run_scoped3A_273 = tpu.sem_alloc : memref<!tpu.dma_semaphore, #tpu.memory_space<semaphore_mem>>
        %dma_start3A_274 = arith.constant 0 : i32
        %dma_start3A_275 = arith.constant 0 : i32
        %dma_start3A_276 = tpu.memref_slice %arg8[%run_scoped3A_60, %dma_start3A_274, %dma_start3A_275] : memref<2x128x128xf32, #tpu.memory_space<vmem>> -> memref<1x128x128xf32, #tpu.memory_space<vmem>>
        %dma_start3A_277 = tpu.memref_squeeze %dma_start3A_276 : memref<1x128x128xf32, #tpu.memory_space<vmem>> -> memref<128x128xf32, #tpu.memory_space<vmem>>
        %dma_start3A_278 = arith.constant 0 : i32
        %dma_start3A_279 = tpu.memref_slice %arg7[%run_scoped3A_61, %select_n3A_30, %run_scoped3A_62, %dma_start3A_278] : memref<2x2x8x128xi32, #tpu.memory_space<vmem>> -> memref<1x1x1x128xi32, #tpu.memory_space<vmem>>
        %dma_start3A_280 = tpu.memref_squeeze %dma_start3A_279 : memref<1x1x1x128xi32, #tpu.memory_space<vmem>> -> memref<128xi32, #tpu.memory_space<vmem>>
        %dma_start3A_281 = arith.constant 0 : i32
        %dma_start3A_282 = arith.constant 0 : i32
        %dma_start3A_283 = tpu.memref_slice %arg9[%dma_start3A_281, %dma_start3A_282] : memref<10112x128xf32, #tpu.memory_space<vmem_shared>> -> memref<10112x128xf32, #tpu.memory_space<vmem_shared>>
        tpu.enqueue_indirect_dma source(%dma_start3A_277 : memref<128x128xf32, #tpu.memory_space<vmem>>) target(%dma_start3A_283 : memref<10112x128xf32, #tpu.memory_space<vmem_shared>>) offsets(%dma_start3A_280 : memref<128xi32, #tpu.memory_space<vmem>>) semaphore(%run_scoped3A_273 : memref<!tpu.dma_semaphore, #tpu.memory_space<semaphore_mem>>) {add = true}
        %dma_wait3A_284 = arith.constant 0 : i32
        %dma_wait3A_285 = arith.constant 0 : i32
        %dma_wait3A_286 = tpu.memref_slice %arg8[%run_scoped3A_60, %dma_wait3A_284, %dma_wait3A_285] : memref<2x128x128xf32, #tpu.memory_space<vmem>> -> memref<1x128x128xf32, #tpu.memory_space<vmem>>
        %dma_wait3A_287 = tpu.memref_squeeze %dma_wait3A_286 : memref<1x128x128xf32, #tpu.memory_space<vmem>> -> memref<128x128xf32, #tpu.memory_space<vmem>>
        %dma_wait3A_288 = arith.constant 0 : i32
        %dma_wait3A_289 = tpu.memref_slice %arg7[%run_scoped3A_61, %select_n3A_30, %run_scoped3A_62, %dma_wait3A_288] : memref<2x2x8x128xi32, #tpu.memory_space<vmem>> -> memref<1x1x1x128xi32, #tpu.memory_space<vmem>>
        %dma_wait3A_290 = tpu.memref_squeeze %dma_wait3A_289 : memref<1x1x1x128xi32, #tpu.memory_space<vmem>> -> memref<128xi32, #tpu.memory_space<vmem>>
        %dma_wait3A_291 = arith.constant 0 : i32
        %dma_wait3A_292 = arith.constant 0 : i32
        %dma_wait3A_293 = tpu.memref_slice %arg9[%dma_wait3A_291, %dma_wait3A_292] : memref<10112x128xf32, #tpu.memory_space<vmem_shared>> -> memref<10112x128xf32, #tpu.memory_space<vmem_shared>>
        tpu.wait_indirect_dma semaphore(%run_scoped3A_273 : memref<!tpu.dma_semaphore, #tpu.memory_space<semaphore_mem>>) src(%dma_wait3A_287 : memref<128x128xf32, #tpu.memory_space<vmem>>) dst(%dma_wait3A_293 : memref<10112x128xf32, #tpu.memory_space<vmem_shared>>)
        tpu.yield
      }) : () -> ()
      %dma_start3A_63 = arith.constant 0 : i32
      %dma_start3A_64 = arith.constant 1 : i32
      %dma_start3A_65 = arith.constant 1 : i32
      %dma_start3A_66 = arith.constant 0 : i32
      %dma_start3A_67 = arith.constant 0 : i32
      %dma_start3A_68 = tpu.memref_slice %arg8[%dma_start3A_65, %dma_start3A_66, %dma_start3A_67] : memref<2x128x128xf32, #tpu.memory_space<vmem>> -> memref<1x128x128xf32, #tpu.memory_space<vmem>>
      %dma_start3A_69 = tpu.memref_squeeze %dma_start3A_68 : memref<1x128x128xf32, #tpu.memory_space<vmem>> -> memref<128x128xf32, #tpu.memory_space<vmem>>
      %dma_start3A_70 = arith.constant 0 : i32
      %dma_start3A_71 = tpu.memref_slice %arg7[%dma_start3A_63, %select_n3A_30, %dma_start3A_64, %dma_start3A_70] : memref<2x2x8x128xi32, #tpu.memory_space<vmem>> -> memref<1x1x1x128xi32, #tpu.memory_space<vmem>>
      %dma_start3A_72 = tpu.memref_squeeze %dma_start3A_71 : memref<1x1x1x128xi32, #tpu.memory_space<vmem>> -> memref<128xi32, #tpu.memory_space<vmem>>
      %dma_start3A_73 = arith.constant 0 : i32
      %dma_start3A_74 = arith.constant 0 : i32
      %dma_start3A_75 = tpu.memref_slice %arg2[%dma_start3A_73, %dma_start3A_74] : memref<10000x128xf32, #tpu.memory_space<hbm>> -> memref<10000x128xf32, #tpu.memory_space<hbm>>
      tpu.enqueue_indirect_dma source(%dma_start3A_75 : memref<10000x128xf32, #tpu.memory_space<hbm>>) target(%dma_start3A_69 : memref<128x128xf32, #tpu.memory_space<vmem>>) offsets(%dma_start3A_72 : memref<128xi32, #tpu.memory_space<vmem>>) semaphore(%arg10 : memref<!tpu.dma_semaphore, #tpu.memory_space<semaphore_mem>>)
      %dma_wait3A_76 = arith.constant 0 : i32
      %dma_wait3A_77 = arith.constant 1 : i32
      %dma_wait3A_78 = arith.constant 1 : i32
      %dma_wait3A_79 = arith.constant 0 : i32
      %dma_wait3A_80 = arith.constant 0 : i32
      %dma_wait3A_81 = tpu.memref_slice %arg8[%dma_wait3A_78, %dma_wait3A_79, %dma_wait3A_80] : memref<2x128x128xf32, #tpu.memory_space<vmem>> -> memref<1x128x128xf32, #tpu.memory_space<vmem>>
      %dma_wait3A_82 = tpu.memref_squeeze %dma_wait3A_81 : memref<1x128x128xf32, #tpu.memory_space<vmem>> -> memref<128x128xf32, #tpu.memory_space<vmem>>
      %dma_wait3A_83 = arith.constant 0 : i32
      %dma_wait3A_84 = tpu.memref_slice %arg7[%dma_wait3A_76, %select_n3A_30, %dma_wait3A_77, %dma_wait3A_83] : memref<2x2x8x128xi32, #tpu.memory_space<vmem>> -> memref<1x1x1x128xi32, #tpu.memory_space<vmem>>
      %dma_wait3A_85 = tpu.memref_squeeze %dma_wait3A_84 : memref<1x1x1x128xi32, #tpu.memory_space<vmem>> -> memref<128xi32, #tpu.memory_space<vmem>>
      %dma_wait3A_86 = arith.constant 0 : i32
      %dma_wait3A_87 = arith.constant 0 : i32
      %dma_wait3A_88 = tpu.memref_slice %arg2[%dma_wait3A_86, %dma_wait3A_87] : memref<10000x128xf32, #tpu.memory_space<hbm>> -> memref<10000x128xf32, #tpu.memory_space<hbm>>
      tpu.wait_indirect_dma semaphore(%arg10 : memref<!tpu.dma_semaphore, #tpu.memory_space<semaphore_mem>>) src(%dma_wait3A_88 : memref<10000x128xf32, #tpu.memory_space<hbm>>) dst(%dma_wait3A_82 : memref<128x128xf32, #tpu.memory_space<vmem>>)
      %run_scoped3A_89 = arith.constant 1 : i32
      %run_scoped3A_90 = arith.constant 1 : i32
      %run_scoped3A_91 = arith.constant 1 : i32
      "tpu.region"() ({
        %run_scoped3A_273 = tpu.sem_alloc : memref<!tpu.dma_semaphore, #tpu.memory_space<semaphore_mem>>
        %dma_start3A_274 = arith.constant 0 : i32
        %dma_start3A_275 = arith.constant 0 : i32
        %dma_start3A_276 = tpu.memref_slice %arg8[%run_scoped3A_89, %dma_start3A_274, %dma_start3A_275] : memref<2x128x128xf32, #tpu.memory_space<vmem>> -> memref<1x128x128xf32, #tpu.memory_space<vmem>>
        %dma_start3A_277 = tpu.memref_squeeze %dma_start3A_276 : memref<1x128x128xf32, #tpu.memory_space<vmem>> -> memref<128x128xf32, #tpu.memory_space<vmem>>
        %dma_start3A_278 = arith.constant 0 : i32
        %dma_start3A_279 = tpu.memref_slice %arg7[%run_scoped3A_90, %select_n3A_30, %run_scoped3A_91, %dma_start3A_278] : memref<2x2x8x128xi32, #tpu.memory_space<vmem>> -> memref<1x1x1x128xi32, #tpu.memory_space<vmem>>
        %dma_start3A_280 = tpu.memref_squeeze %dma_start3A_279 : memref<1x1x1x128xi32, #tpu.memory_space<vmem>> -> memref<128xi32, #tpu.memory_space<vmem>>
        %dma_start3A_281 = arith.constant 0 : i32
        %dma_start3A_282 = arith.constant 0 : i32
        %dma_start3A_283 = tpu.memref_slice %arg9[%dma_start3A_281, %dma_start3A_282] : memref<10112x128xf32, #tpu.memory_space<vmem_shared>> -> memref<10112x128xf32, #tpu.memory_space<vmem_shared>>
        tpu.enqueue_indirect_dma source(%dma_start3A_277 : memref<128x128xf32, #tpu.memory_space<vmem>>) target(%dma_start3A_283 : memref<10112x128xf32, #tpu.memory_space<vmem_shared>>) offsets(%dma_start3A_280 : memref<128xi32, #tpu.memory_space<vmem>>) semaphore(%run_scoped3A_273 : memref<!tpu.dma_semaphore, #tpu.memory_space<semaphore_mem>>) {add = true}
        %dma_wait3A_284 = arith.constant 0 : i32
        %dma_wait3A_285 = arith.constant 0 : i32
        %dma_wait3A_286 = tpu.memref_slice %arg8[%run_scoped3A_89, %dma_wait3A_284, %dma_wait3A_285] : memref<2x128x128xf32, #tpu.memory_space<vmem>> -> memref<1x128x128xf32, #tpu.memory_space<vmem>>
        %dma_wait3A_287 = tpu.memref_squeeze %dma_wait3A_286 : memref<1x128x128xf32, #tpu.memory_space<vmem>> -> memref<128x128xf32, #tpu.memory_space<vmem>>
        %dma_wait3A_288 = arith.constant 0 : i32
        %dma_wait3A_289 = tpu.memref_slice %arg7[%run_scoped3A_90, %select_n3A_30, %run_scoped3A_91, %dma_wait3A_288] : memref<2x2x8x128xi32, #tpu.memory_space<vmem>> -> memref<1x1x1x128xi32, #tpu.memory_space<vmem>>
        %dma_wait3A_290 = tpu.memref_squeeze %dma_wait3A_289 : memref<1x1x1x128xi32, #tpu.memory_space<vmem>> -> memref<128xi32, #tpu.memory_space<vmem>>
        %dma_wait3A_291 = arith.constant 0 : i32
        %dma_wait3A_292 = arith.constant 0 : i32
        %dma_wait3A_293 = tpu.memref_slice %arg9[%dma_wait3A_291, %dma_wait3A_292] : memref<10112x128xf32, #tpu.memory_space<vmem_shared>> -> memref<10112x128xf32, #tpu.memory_space<vmem_shared>>
        tpu.wait_indirect_dma semaphore(%run_scoped3A_273 : memref<!tpu.dma_semaphore, #tpu.memory_space<semaphore_mem>>) src(%dma_wait3A_287 : memref<128x128xf32, #tpu.memory_space<vmem>>) dst(%dma_wait3A_293 : memref<10112x128xf32, #tpu.memory_space<vmem_shared>>)
        tpu.yield
      }) : () -> ()
      %dma_start3A_92 = arith.constant 0 : i32
      %dma_start3A_93 = arith.constant 2 : i32
      %dma_start3A_94 = arith.constant 0 : i32
      %dma_start3A_95 = arith.constant 0 : i32
      %dma_start3A_96 = arith.constant 0 : i32
      %dma_start3A_97 = tpu.memref_slice %arg8[%dma_start3A_94, %dma_start3A_95, %dma_start3A_96] : memref<2x128x128xf32, #tpu.memory_space<vmem>> -> memref<1x128x128xf32, #tpu.memory_space<vmem>>
      %dma_start3A_98 = tpu.memref_squeeze %dma_start3A_97 : memref<1x128x128xf32, #tpu.memory_space<vmem>> -> memref<128x128xf32, #tpu.memory_space<vmem>>
      %dma_start3A_99 = arith.constant 0 : i32
      %dma_start3A_100 = tpu.memref_slice %arg7[%dma_start3A_92, %select_n3A_30, %dma_start3A_93, %dma_start3A_99] : memref<2x2x8x128xi32, #tpu.memory_space<vmem>> -> memref<1x1x1x128xi32, #tpu.memory_space<vmem>>
      %dma_start3A_101 = tpu.memref_squeeze %dma_start3A_100 : memref<1x1x1x128xi32, #tpu.memory_space<vmem>> -> memref<128xi32, #tpu.memory_space<vmem>>
      %dma_start3A_102 = arith.constant 0 : i32
      %dma_start3A_103 = arith.constant 0 : i32
      %dma_start3A_104 = tpu.memref_slice %arg2[%dma_start3A_102, %dma_start3A_103] : memref<10000x128xf32, #tpu.memory_space<hbm>> -> memref<10000x128xf32, #tpu.memory_space<hbm>>
      tpu.enqueue_indirect_dma source(%dma_start3A_104 : memref<10000x128xf32, #tpu.memory_space<hbm>>) target(%dma_start3A_98 : memref<128x128xf32, #tpu.memory_space<vmem>>) offsets(%dma_start3A_101 : memref<128xi32, #tpu.memory_space<vmem>>) semaphore(%arg10 : memref<!tpu.dma_semaphore, #tpu.memory_space<semaphore_mem>>)
      %dma_wait3A_105 = arith.constant 0 : i32
      %dma_wait3A_106 = arith.constant 2 : i32
      %dma_wait3A_107 = arith.constant 0 : i32
      %dma_wait3A_108 = arith.constant 0 : i32
      %dma_wait3A_109 = arith.constant 0 : i32
      %dma_wait3A_110 = tpu.memref_slice %arg8[%dma_wait3A_107, %dma_wait3A_108, %dma_wait3A_109] : memref<2x128x128xf32, #tpu.memory_space<vmem>> -> memref<1x128x128xf32, #tpu.memory_space<vmem>>
      %dma_wait3A_111 = tpu.memref_squeeze %dma_wait3A_110 : memref<1x128x128xf32, #tpu.memory_space<vmem>> -> memref<128x128xf32, #tpu.memory_space<vmem>>
      %dma_wait3A_112 = arith.constant 0 : i32
      %dma_wait3A_113 = tpu.memref_slice %arg7[%dma_wait3A_105, %select_n3A_30, %dma_wait3A_106, %dma_wait3A_112] : memref<2x2x8x128xi32, #tpu.memory_space<vmem>> -> memref<1x1x1x128xi32, #tpu.memory_space<vmem>>
      %dma_wait3A_114 = tpu.memref_squeeze %dma_wait3A_113 : memref<1x1x1x128xi32, #tpu.memory_space<vmem>> -> memref<128xi32, #tpu.memory_space<vmem>>
      %dma_wait3A_115 = arith.constant 0 : i32
      %dma_wait3A_116 = arith.constant 0 : i32
      %dma_wait3A_117 = tpu.memref_slice %arg2[%dma_wait3A_115, %dma_wait3A_116] : memref<10000x128xf32, #tpu.memory_space<hbm>> -> memref<10000x128xf32, #tpu.memory_space<hbm>>
      tpu.wait_indirect_dma semaphore(%arg10 : memref<!tpu.dma_semaphore, #tpu.memory_space<semaphore_mem>>) src(%dma_wait3A_117 : memref<10000x128xf32, #tpu.memory_space<hbm>>) dst(%dma_wait3A_111 : memref<128x128xf32, #tpu.memory_space<vmem>>)
      %run_scoped3A_118 = arith.constant 0 : i32
      %run_scoped3A_119 = arith.constant 1 : i32
      %run_scoped3A_120 = arith.constant 2 : i32
      "tpu.region"() ({
        %run_scoped3A_273 = tpu.sem_alloc : memref<!tpu.dma_semaphore, #tpu.memory_space<semaphore_mem>>
        %dma_start3A_274 = arith.constant 0 : i32
        %dma_start3A_275 = arith.constant 0 : i32
        %dma_start3A_276 = tpu.memref_slice %arg8[%run_scoped3A_118, %dma_start3A_274, %dma_start3A_275] : memref<2x128x128xf32, #tpu.memory_space<vmem>> -> memref<1x128x128xf32, #tpu.memory_space<vmem>>
        %dma_start3A_277 = tpu.memref_squeeze %dma_start3A_276 : memref<1x128x128xf32, #tpu.memory_space<vmem>> -> memref<128x128xf32, #tpu.memory_space<vmem>>
        %dma_start3A_278 = arith.constant 0 : i32
        %dma_start3A_279 = tpu.memref_slice %arg7[%run_scoped3A_119, %select_n3A_30, %run_scoped3A_120, %dma_start3A_278] : memref<2x2x8x128xi32, #tpu.memory_space<vmem>> -> memref<1x1x1x128xi32, #tpu.memory_space<vmem>>
        %dma_start3A_280 = tpu.memref_squeeze %dma_start3A_279 : memref<1x1x1x128xi32, #tpu.memory_space<vmem>> -> memref<128xi32, #tpu.memory_space<vmem>>
        %dma_start3A_281 = arith.constant 0 : i32
        %dma_start3A_282 = arith.constant 0 : i32
        %dma_start3A_283 = tpu.memref_slice %arg9[%dma_start3A_281, %dma_start3A_282] : memref<10112x128xf32, #tpu.memory_space<vmem_shared>> -> memref<10112x128xf32, #tpu.memory_space<vmem_shared>>
        tpu.enqueue_indirect_dma source(%dma_start3A_277 : memref<128x128xf32, #tpu.memory_space<vmem>>) target(%dma_start3A_283 : memref<10112x128xf32, #tpu.memory_space<vmem_shared>>) offsets(%dma_start3A_280 : memref<128xi32, #tpu.memory_space<vmem>>) semaphore(%run_scoped3A_273 : memref<!tpu.dma_semaphore, #tpu.memory_space<semaphore_mem>>) {add = true}
        %dma_wait3A_284 = arith.constant 0 : i32
        %dma_wait3A_285 = arith.constant 0 : i32
        %dma_wait3A_286 = tpu.memref_slice %arg8[%run_scoped3A_118, %dma_wait3A_284, %dma_wait3A_285] : memref<2x128x128xf32, #tpu.memory_space<vmem>> -> memref<1x128x128xf32, #tpu.memory_space<vmem>>
        %dma_wait3A_287 = tpu.memref_squeeze %dma_wait3A_286 : memref<1x128x128xf32, #tpu.memory_space<vmem>> -> memref<128x128xf32, #tpu.memory_space<vmem>>
        %dma_wait3A_288 = arith.constant 0 : i32
        %dma_wait3A_289 = tpu.memref_slice %arg7[%run_scoped3A_119, %select_n3A_30, %run_scoped3A_120, %dma_wait3A_288] : memref<2x2x8x128xi32, #tpu.memory_space<vmem>> -> memref<1x1x1x128xi32, #tpu.memory_space<vmem>>
        %dma_wait3A_290 = tpu.memref_squeeze %dma_wait3A_289 : memref<1x1x1x128xi32, #tpu.memory_space<vmem>> -> memref<128xi32, #tpu.memory_space<vmem>>
        %dma_wait3A_291 = arith.constant 0 : i32
        %dma_wait3A_292 = arith.constant 0 : i32
        %dma_wait3A_293 = tpu.memref_slice %arg9[%dma_wait3A_291, %dma_wait3A_292] : memref<10112x128xf32, #tpu.memory_space<vmem_shared>> -> memref<10112x128xf32, #tpu.memory_space<vmem_shared>>
        tpu.wait_indirect_dma semaphore(%run_scoped3A_273 : memref<!tpu.dma_semaphore, #tpu.memory_space<semaphore_mem>>) src(%dma_wait3A_287 : memref<128x128xf32, #tpu.memory_space<vmem>>) dst(%dma_wait3A_293 : memref<10112x128xf32, #tpu.memory_space<vmem_shared>>)
        tpu.yield
      }) : () -> ()
      %dma_start3A_121 = arith.constant 0 : i32
      %dma_start3A_122 = arith.constant 3 : i32
      %dma_start3A_123 = arith.constant 1 : i32
      %dma_start3A_124 = arith.constant 0 : i32
      %dma_start3A_125 = arith.constant 0 : i32
      %dma_start3A_126 = tpu.memref_slice %arg8[%dma_start3A_123, %dma_start3A_124, %dma_start3A_125] : memref<2x128x128xf32, #tpu.memory_space<vmem>> -> memref<1x128x128xf32, #tpu.memory_space<vmem>>
      %dma_start3A_127 = tpu.memref_squeeze %dma_start3A_126 : memref<1x128x128xf32, #tpu.memory_space<vmem>> -> memref<128x128xf32, #tpu.memory_space<vmem>>
      %dma_start3A_128 = arith.constant 0 : i32
      %dma_start3A_129 = tpu.memref_slice %arg7[%dma_start3A_121, %select_n3A_30, %dma_start3A_122, %dma_start3A_128] : memref<2x2x8x128xi32, #tpu.memory_space<vmem>> -> memref<1x1x1x128xi32, #tpu.memory_space<vmem>>
      %dma_start3A_130 = tpu.memref_squeeze %dma_start3A_129 : memref<1x1x1x128xi32, #tpu.memory_space<vmem>> -> memref<128xi32, #tpu.memory_space<vmem>>
      %dma_start3A_131 = arith.constant 0 : i32
      %dma_start3A_132 = arith.constant 0 : i32
      %dma_start3A_133 = tpu.memref_slice %arg2[%dma_start3A_131, %dma_start3A_132] : memref<10000x128xf32, #tpu.memory_space<hbm>> -> memref<10000x128xf32, #tpu.memory_space<hbm>>
      tpu.enqueue_indirect_dma source(%dma_start3A_133 : memref<10000x128xf32, #tpu.memory_space<hbm>>) target(%dma_start3A_127 : memref<128x128xf32, #tpu.memory_space<vmem>>) offsets(%dma_start3A_130 : memref<128xi32, #tpu.memory_space<vmem>>) semaphore(%arg10 : memref<!tpu.dma_semaphore, #tpu.memory_space<semaphore_mem>>)
      %dma_wait3A_134 = arith.constant 0 : i32
      %dma_wait3A_135 = arith.constant 3 : i32
      %dma_wait3A_136 = arith.constant 1 : i32
      %dma_wait3A_137 = arith.constant 0 : i32
      %dma_wait3A_138 = arith.constant 0 : i32
      %dma_wait3A_139 = tpu.memref_slice %arg8[%dma_wait3A_136, %dma_wait3A_137, %dma_wait3A_138] : memref<2x128x128xf32, #tpu.memory_space<vmem>> -> memref<1x128x128xf32, #tpu.memory_space<vmem>>
      %dma_wait3A_140 = tpu.memref_squeeze %dma_wait3A_139 : memref<1x128x128xf32, #tpu.memory_space<vmem>> -> memref<128x128xf32, #tpu.memory_space<vmem>>
      %dma_wait3A_141 = arith.constant 0 : i32
      %dma_wait3A_142 = tpu.memref_slice %arg7[%dma_wait3A_134, %select_n3A_30, %dma_wait3A_135, %dma_wait3A_141] : memref<2x2x8x128xi32, #tpu.memory_space<vmem>> -> memref<1x1x1x128xi32, #tpu.memory_space<vmem>>
      %dma_wait3A_143 = tpu.memref_squeeze %dma_wait3A_142 : memref<1x1x1x128xi32, #tpu.memory_space<vmem>> -> memref<128xi32, #tpu.memory_space<vmem>>
      %dma_wait3A_144 = arith.constant 0 : i32
      %dma_wait3A_145 = arith.constant 0 : i32
      %dma_wait3A_146 = tpu.memref_slice %arg2[%dma_wait3A_144, %dma_wait3A_145] : memref<10000x128xf32, #tpu.memory_space<hbm>> -> memref<10000x128xf32, #tpu.memory_space<hbm>>
      tpu.wait_indirect_dma semaphore(%arg10 : memref<!tpu.dma_semaphore, #tpu.memory_space<semaphore_mem>>) src(%dma_wait3A_146 : memref<10000x128xf32, #tpu.memory_space<hbm>>) dst(%dma_wait3A_140 : memref<128x128xf32, #tpu.memory_space<vmem>>)
      %run_scoped3A_147 = arith.constant 1 : i32
      %run_scoped3A_148 = arith.constant 1 : i32
      %run_scoped3A_149 = arith.constant 3 : i32
      "tpu.region"() ({
        %run_scoped3A_273 = tpu.sem_alloc : memref<!tpu.dma_semaphore, #tpu.memory_space<semaphore_mem>>
        %dma_start3A_274 = arith.constant 0 : i32
        %dma_start3A_275 = arith.constant 0 : i32
        %dma_start3A_276 = tpu.memref_slice %arg8[%run_scoped3A_147, %dma_start3A_274, %dma_start3A_275] : memref<2x128x128xf32, #tpu.memory_space<vmem>> -> memref<1x128x128xf32, #tpu.memory_space<vmem>>
        %dma_start3A_277 = tpu.memref_squeeze %dma_start3A_276 : memref<1x128x128xf32, #tpu.memory_space<vmem>> -> memref<128x128xf32, #tpu.memory_space<vmem>>
        %dma_start3A_278 = arith.constant 0 : i32
        %dma_start3A_279 = tpu.memref_slice %arg7[%run_scoped3A_148, %select_n3A_30, %run_scoped3A_149, %dma_start3A_278] : memref<2x2x8x128xi32, #tpu.memory_space<vmem>> -> memref<1x1x1x128xi32, #tpu.memory_space<vmem>>
        %dma_start3A_280 = tpu.memref_squeeze %dma_start3A_279 : memref<1x1x1x128xi32, #tpu.memory_space<vmem>> -> memref<128xi32, #tpu.memory_space<vmem>>
        %dma_start3A_281 = arith.constant 0 : i32
        %dma_start3A_282 = arith.constant 0 : i32
        %dma_start3A_283 = tpu.memref_slice %arg9[%dma_start3A_281, %dma_start3A_282] : memref<10112x128xf32, #tpu.memory_space<vmem_shared>> -> memref<10112x128xf32, #tpu.memory_space<vmem_shared>>
        tpu.enqueue_indirect_dma source(%dma_start3A_277 : memref<128x128xf32, #tpu.memory_space<vmem>>) target(%dma_start3A_283 : memref<10112x128xf32, #tpu.memory_space<vmem_shared>>) offsets(%dma_start3A_280 : memref<128xi32, #tpu.memory_space<vmem>>) semaphore(%run_scoped3A_273 : memref<!tpu.dma_semaphore, #tpu.memory_space<semaphore_mem>>) {add = true}
        %dma_wait3A_284 = arith.constant 0 : i32
        %dma_wait3A_285 = arith.constant 0 : i32
        %dma_wait3A_286 = tpu.memref_slice %arg8[%run_scoped3A_147, %dma_wait3A_284, %dma_wait3A_285] : memref<2x128x128xf32, #tpu.memory_space<vmem>> -> memref<1x128x128xf32, #tpu.memory_space<vmem>>
        %dma_wait3A_287 = tpu.memref_squeeze %dma_wait3A_286 : memref<1x128x128xf32, #tpu.memory_space<vmem>> -> memref<128x128xf32, #tpu.memory_space<vmem>>
        %dma_wait3A_288 = arith.constant 0 : i32
        %dma_wait3A_289 = tpu.memref_slice %arg7[%run_scoped3A_148, %select_n3A_30, %run_scoped3A_149, %dma_wait3A_288] : memref<2x2x8x128xi32, #tpu.memory_space<vmem>> -> memref<1x1x1x128xi32, #tpu.memory_space<vmem>>
        %dma_wait3A_290 = tpu.memref_squeeze %dma_wait3A_289 : memref<1x1x1x128xi32, #tpu.memory_space<vmem>> -> memref<128xi32, #tpu.memory_space<vmem>>
        %dma_wait3A_291 = arith.constant 0 : i32
        %dma_wait3A_292 = arith.constant 0 : i32
        %dma_wait3A_293 = tpu.memref_slice %arg9[%dma_wait3A_291, %dma_wait3A_292] : memref<10112x128xf32, #tpu.memory_space<vmem_shared>> -> memref<10112x128xf32, #tpu.memory_space<vmem_shared>>
        tpu.wait_indirect_dma semaphore(%run_scoped3A_273 : memref<!tpu.dma_semaphore, #tpu.memory_space<semaphore_mem>>) src(%dma_wait3A_287 : memref<128x128xf32, #tpu.memory_space<vmem>>) dst(%dma_wait3A_293 : memref<10112x128xf32, #tpu.memory_space<vmem_shared>>)
        tpu.yield
      }) : () -> ()
      %dma_start3A_150 = arith.constant 0 : i32
      %dma_start3A_151 = arith.constant 4 : i32
      %dma_start3A_152 = arith.constant 0 : i32
      %dma_start3A_153 = arith.constant 0 : i32
      %dma_start3A_154 = arith.constant 0 : i32
      %dma_start3A_155 = tpu.memref_slice %arg8[%dma_start3A_152, %dma_start3A_153, %dma_start3A_154] : memref<2x128x128xf32, #tpu.memory_space<vmem>> -> memref<1x128x128xf32, #tpu.memory_space<vmem>>
      %dma_start3A_156 = tpu.memref_squeeze %dma_start3A_155 : memref<1x128x128xf32, #tpu.memory_space<vmem>> -> memref<128x128xf32, #tpu.memory_space<vmem>>
      %dma_start3A_157 = arith.constant 0 : i32
      %dma_start3A_158 = tpu.memref_slice %arg7[%dma_start3A_150, %select_n3A_30, %dma_start3A_151, %dma_start3A_157] : memref<2x2x8x128xi32, #tpu.memory_space<vmem>> -> memref<1x1x1x128xi32, #tpu.memory_space<vmem>>
      %dma_start3A_159 = tpu.memref_squeeze %dma_start3A_158 : memref<1x1x1x128xi32, #tpu.memory_space<vmem>> -> memref<128xi32, #tpu.memory_space<vmem>>
      %dma_start3A_160 = arith.constant 0 : i32
      %dma_start3A_161 = arith.constant 0 : i32
      %dma_start3A_162 = tpu.memref_slice %arg2[%dma_start3A_160, %dma_start3A_161] : memref<10000x128xf32, #tpu.memory_space<hbm>> -> memref<10000x128xf32, #tpu.memory_space<hbm>>
      tpu.enqueue_indirect_dma source(%dma_start3A_162 : memref<10000x128xf32, #tpu.memory_space<hbm>>) target(%dma_start3A_156 : memref<128x128xf32, #tpu.memory_space<vmem>>) offsets(%dma_start3A_159 : memref<128xi32, #tpu.memory_space<vmem>>) semaphore(%arg10 : memref<!tpu.dma_semaphore, #tpu.memory_space<semaphore_mem>>)
      %dma_wait3A_163 = arith.constant 0 : i32
      %dma_wait3A_164 = arith.constant 4 : i32
      %dma_wait3A_165 = arith.constant 0 : i32
      %dma_wait3A_166 = arith.constant 0 : i32
      %dma_wait3A_167 = arith.constant 0 : i32
      %dma_wait3A_168 = tpu.memref_slice %arg8[%dma_wait3A_165, %dma_wait3A_166, %dma_wait3A_167] : memref<2x128x128xf32, #tpu.memory_space<vmem>> -> memref<1x128x128xf32, #tpu.memory_space<vmem>>
      %dma_wait3A_169 = tpu.memref_squeeze %dma_wait3A_168 : memref<1x128x128xf32, #tpu.memory_space<vmem>> -> memref<128x128xf32, #tpu.memory_space<vmem>>
      %dma_wait3A_170 = arith.constant 0 : i32
      %dma_wait3A_171 = tpu.memref_slice %arg7[%dma_wait3A_163, %select_n3A_30, %dma_wait3A_164, %dma_wait3A_170] : memref<2x2x8x128xi32, #tpu.memory_space<vmem>> -> memref<1x1x1x128xi32, #tpu.memory_space<vmem>>
      %dma_wait3A_172 = tpu.memref_squeeze %dma_wait3A_171 : memref<1x1x1x128xi32, #tpu.memory_space<vmem>> -> memref<128xi32, #tpu.memory_space<vmem>>
      %dma_wait3A_173 = arith.constant 0 : i32
      %dma_wait3A_174 = arith.constant 0 : i32
      %dma_wait3A_175 = tpu.memref_slice %arg2[%dma_wait3A_173, %dma_wait3A_174] : memref<10000x128xf32, #tpu.memory_space<hbm>> -> memref<10000x128xf32, #tpu.memory_space<hbm>>
      tpu.wait_indirect_dma semaphore(%arg10 : memref<!tpu.dma_semaphore, #tpu.memory_space<semaphore_mem>>) src(%dma_wait3A_175 : memref<10000x128xf32, #tpu.memory_space<hbm>>) dst(%dma_wait3A_169 : memref<128x128xf32, #tpu.memory_space<vmem>>)
      %run_scoped3A_176 = arith.constant 0 : i32
      %run_scoped3A_177 = arith.constant 1 : i32
      %run_scoped3A_178 = arith.constant 4 : i32
      "tpu.region"() ({
        %run_scoped3A_273 = tpu.sem_alloc : memref<!tpu.dma_semaphore, #tpu.memory_space<semaphore_mem>>
        %dma_start3A_274 = arith.constant 0 : i32
        %dma_start3A_275 = arith.constant 0 : i32
        %dma_start3A_276 = tpu.memref_slice %arg8[%run_scoped3A_176, %dma_start3A_274, %dma_start3A_275] : memref<2x128x128xf32, #tpu.memory_space<vmem>> -> memref<1x128x128xf32, #tpu.memory_space<vmem>>
        %dma_start3A_277 = tpu.memref_squeeze %dma_start3A_276 : memref<1x128x128xf32, #tpu.memory_space<vmem>> -> memref<128x128xf32, #tpu.memory_space<vmem>>
        %dma_start3A_278 = arith.constant 0 : i32
        %dma_start3A_279 = tpu.memref_slice %arg7[%run_scoped3A_177, %select_n3A_30, %run_scoped3A_178, %dma_start3A_278] : memref<2x2x8x128xi32, #tpu.memory_space<vmem>> -> memref<1x1x1x128xi32, #tpu.memory_space<vmem>>
        %dma_start3A_280 = tpu.memref_squeeze %dma_start3A_279 : memref<1x1x1x128xi32, #tpu.memory_space<vmem>> -> memref<128xi32, #tpu.memory_space<vmem>>
        %dma_start3A_281 = arith.constant 0 : i32
        %dma_start3A_282 = arith.constant 0 : i32
        %dma_start3A_283 = tpu.memref_slice %arg9[%dma_start3A_281, %dma_start3A_282] : memref<10112x128xf32, #tpu.memory_space<vmem_shared>> -> memref<10112x128xf32, #tpu.memory_space<vmem_shared>>
        tpu.enqueue_indirect_dma source(%dma_start3A_277 : memref<128x128xf32, #tpu.memory_space<vmem>>) target(%dma_start3A_283 : memref<10112x128xf32, #tpu.memory_space<vmem_shared>>) offsets(%dma_start3A_280 : memref<128xi32, #tpu.memory_space<vmem>>) semaphore(%run_scoped3A_273 : memref<!tpu.dma_semaphore, #tpu.memory_space<semaphore_mem>>) {add = true}
        %dma_wait3A_284 = arith.constant 0 : i32
        %dma_wait3A_285 = arith.constant 0 : i32
        %dma_wait3A_286 = tpu.memref_slice %arg8[%run_scoped3A_176, %dma_wait3A_284, %dma_wait3A_285] : memref<2x128x128xf32, #tpu.memory_space<vmem>> -> memref<1x128x128xf32, #tpu.memory_space<vmem>>
        %dma_wait3A_287 = tpu.memref_squeeze %dma_wait3A_286 : memref<1x128x128xf32, #tpu.memory_space<vmem>> -> memref<128x128xf32, #tpu.memory_space<vmem>>
        %dma_wait3A_288 = arith.constant 0 : i32
        %dma_wait3A_289 = tpu.memref_slice %arg7[%run_scoped3A_177, %select_n3A_30, %run_scoped3A_178, %dma_wait3A_288] : memref<2x2x8x128xi32, #tpu.memory_space<vmem>> -> memref<1x1x1x128xi32, #tpu.memory_space<vmem>>
        %dma_wait3A_290 = tpu.memref_squeeze %dma_wait3A_289 : memref<1x1x1x128xi32, #tpu.memory_space<vmem>> -> memref<128xi32, #tpu.memory_space<vmem>>
        %dma_wait3A_291 = arith.constant 0 : i32
        %dma_wait3A_292 = arith.constant 0 : i32
        %dma_wait3A_293 = tpu.memref_slice %arg9[%dma_wait3A_291, %dma_wait3A_292] : memref<10112x128xf32, #tpu.memory_space<vmem_shared>> -> memref<10112x128xf32, #tpu.memory_space<vmem_shared>>
        tpu.wait_indirect_dma semaphore(%run_scoped3A_273 : memref<!tpu.dma_semaphore, #tpu.memory_space<semaphore_mem>>) src(%dma_wait3A_287 : memref<128x128xf32, #tpu.memory_space<vmem>>) dst(%dma_wait3A_293 : memref<10112x128xf32, #tpu.memory_space<vmem_shared>>)
        tpu.yield
      }) : () -> ()
      %dma_start3A_179 = arith.constant 0 : i32
      %dma_start3A_180 = arith.constant 5 : i32
      %dma_start3A_181 = arith.constant 1 : i32
      %dma_start3A_182 = arith.constant 0 : i32
      %dma_start3A_183 = arith.constant 0 : i32
      %dma_start3A_184 = tpu.memref_slice %arg8[%dma_start3A_181, %dma_start3A_182, %dma_start3A_183] : memref<2x128x128xf32, #tpu.memory_space<vmem>> -> memref<1x128x128xf32, #tpu.memory_space<vmem>>
      %dma_start3A_185 = tpu.memref_squeeze %dma_start3A_184 : memref<1x128x128xf32, #tpu.memory_space<vmem>> -> memref<128x128xf32, #tpu.memory_space<vmem>>
      %dma_start3A_186 = arith.constant 0 : i32
      %dma_start3A_187 = tpu.memref_slice %arg7[%dma_start3A_179, %select_n3A_30, %dma_start3A_180, %dma_start3A_186] : memref<2x2x8x128xi32, #tpu.memory_space<vmem>> -> memref<1x1x1x128xi32, #tpu.memory_space<vmem>>
      %dma_start3A_188 = tpu.memref_squeeze %dma_start3A_187 : memref<1x1x1x128xi32, #tpu.memory_space<vmem>> -> memref<128xi32, #tpu.memory_space<vmem>>
      %dma_start3A_189 = arith.constant 0 : i32
      %dma_start3A_190 = arith.constant 0 : i32
      %dma_start3A_191 = tpu.memref_slice %arg2[%dma_start3A_189, %dma_start3A_190] : memref<10000x128xf32, #tpu.memory_space<hbm>> -> memref<10000x128xf32, #tpu.memory_space<hbm>>
      tpu.enqueue_indirect_dma source(%dma_start3A_191 : memref<10000x128xf32, #tpu.memory_space<hbm>>) target(%dma_start3A_185 : memref<128x128xf32, #tpu.memory_space<vmem>>) offsets(%dma_start3A_188 : memref<128xi32, #tpu.memory_space<vmem>>) semaphore(%arg10 : memref<!tpu.dma_semaphore, #tpu.memory_space<semaphore_mem>>)
      %dma_wait3A_192 = arith.constant 0 : i32
      %dma_wait3A_193 = arith.constant 5 : i32
      %dma_wait3A_194 = arith.constant 1 : i32
      %dma_wait3A_195 = arith.constant 0 : i32
      %dma_wait3A_196 = arith.constant 0 : i32
      %dma_wait3A_197 = tpu.memref_slice %arg8[%dma_wait3A_194, %dma_wait3A_195, %dma_wait3A_196] : memref<2x128x128xf32, #tpu.memory_space<vmem>> -> memref<1x128x128xf32, #tpu.memory_space<vmem>>
      %dma_wait3A_198 = tpu.memref_squeeze %dma_wait3A_197 : memref<1x128x128xf32, #tpu.memory_space<vmem>> -> memref<128x128xf32, #tpu.memory_space<vmem>>
      %dma_wait3A_199 = arith.constant 0 : i32
      %dma_wait3A_200 = tpu.memref_slice %arg7[%dma_wait3A_192, %select_n3A_30, %dma_wait3A_193, %dma_wait3A_199] : memref<2x2x8x128xi32, #tpu.memory_space<vmem>> -> memref<1x1x1x128xi32, #tpu.memory_space<vmem>>
      %dma_wait3A_201 = tpu.memref_squeeze %dma_wait3A_200 : memref<1x1x1x128xi32, #tpu.memory_space<vmem>> -> memref<128xi32, #tpu.memory_space<vmem>>
      %dma_wait3A_202 = arith.constant 0 : i32
      %dma_wait3A_203 = arith.constant 0 : i32
      %dma_wait3A_204 = tpu.memref_slice %arg2[%dma_wait3A_202, %dma_wait3A_203] : memref<10000x128xf32, #tpu.memory_space<hbm>> -> memref<10000x128xf32, #tpu.memory_space<hbm>>
      tpu.wait_indirect_dma semaphore(%arg10 : memref<!tpu.dma_semaphore, #tpu.memory_space<semaphore_mem>>) src(%dma_wait3A_204 : memref<10000x128xf32, #tpu.memory_space<hbm>>) dst(%dma_wait3A_198 : memref<128x128xf32, #tpu.memory_space<vmem>>)
      %run_scoped3A_205 = arith.constant 1 : i32
      %run_scoped3A_206 = arith.constant 1 : i32
      %run_scoped3A_207 = arith.constant 5 : i32
      "tpu.region"() ({
        %run_scoped3A_273 = tpu.sem_alloc : memref<!tpu.dma_semaphore, #tpu.memory_space<semaphore_mem>>
        %dma_start3A_274 = arith.constant 0 : i32
        %dma_start3A_275 = arith.constant 0 : i32
        %dma_start3A_276 = tpu.memref_slice %arg8[%run_scoped3A_205, %dma_start3A_274, %dma_start3A_275] : memref<2x128x128xf32, #tpu.memory_space<vmem>> -> memref<1x128x128xf32, #tpu.memory_space<vmem>>
        %dma_start3A_277 = tpu.memref_squeeze %dma_start3A_276 : memref<1x128x128xf32, #tpu.memory_space<vmem>> -> memref<128x128xf32, #tpu.memory_space<vmem>>
        %dma_start3A_278 = arith.constant 0 : i32
        %dma_start3A_279 = tpu.memref_slice %arg7[%run_scoped3A_206, %select_n3A_30, %run_scoped3A_207, %dma_start3A_278] : memref<2x2x8x128xi32, #tpu.memory_space<vmem>> -> memref<1x1x1x128xi32, #tpu.memory_space<vmem>>
        %dma_start3A_280 = tpu.memref_squeeze %dma_start3A_279 : memref<1x1x1x128xi32, #tpu.memory_space<vmem>> -> memref<128xi32, #tpu.memory_space<vmem>>
        %dma_start3A_281 = arith.constant 0 : i32
        %dma_start3A_282 = arith.constant 0 : i32
        %dma_start3A_283 = tpu.memref_slice %arg9[%dma_start3A_281, %dma_start3A_282] : memref<10112x128xf32, #tpu.memory_space<vmem_shared>> -> memref<10112x128xf32, #tpu.memory_space<vmem_shared>>
        tpu.enqueue_indirect_dma source(%dma_start3A_277 : memref<128x128xf32, #tpu.memory_space<vmem>>) target(%dma_start3A_283 : memref<10112x128xf32, #tpu.memory_space<vmem_shared>>) offsets(%dma_start3A_280 : memref<128xi32, #tpu.memory_space<vmem>>) semaphore(%run_scoped3A_273 : memref<!tpu.dma_semaphore, #tpu.memory_space<semaphore_mem>>) {add = true}
        %dma_wait3A_284 = arith.constant 0 : i32
        %dma_wait3A_285 = arith.constant 0 : i32
        %dma_wait3A_286 = tpu.memref_slice %arg8[%run_scoped3A_205, %dma_wait3A_284, %dma_wait3A_285] : memref<2x128x128xf32, #tpu.memory_space<vmem>> -> memref<1x128x128xf32, #tpu.memory_space<vmem>>
        %dma_wait3A_287 = tpu.memref_squeeze %dma_wait3A_286 : memref<1x128x128xf32, #tpu.memory_space<vmem>> -> memref<128x128xf32, #tpu.memory_space<vmem>>
        %dma_wait3A_288 = arith.constant 0 : i32
        %dma_wait3A_289 = tpu.memref_slice %arg7[%run_scoped3A_206, %select_n3A_30, %run_scoped3A_207, %dma_wait3A_288] : memref<2x2x8x128xi32, #tpu.memory_space<vmem>> -> memref<1x1x1x128xi32, #tpu.memory_space<vmem>>
        %dma_wait3A_290 = tpu.memref_squeeze %dma_wait3A_289 : memref<1x1x1x128xi32, #tpu.memory_space<vmem>> -> memref<128xi32, #tpu.memory_space<vmem>>
        %dma_wait3A_291 = arith.constant 0 : i32
        %dma_wait3A_292 = arith.constant 0 : i32
        %dma_wait3A_293 = tpu.memref_slice %arg9[%dma_wait3A_291, %dma_wait3A_292] : memref<10112x128xf32, #tpu.memory_space<vmem_shared>> -> memref<10112x128xf32, #tpu.memory_space<vmem_shared>>
        tpu.wait_indirect_dma semaphore(%run_scoped3A_273 : memref<!tpu.dma_semaphore, #tpu.memory_space<semaphore_mem>>) src(%dma_wait3A_287 : memref<128x128xf32, #tpu.memory_space<vmem>>) dst(%dma_wait3A_293 : memref<10112x128xf32, #tpu.memory_space<vmem_shared>>)
        tpu.yield
      }) : () -> ()
      %dma_start3A_208 = arith.constant 0 : i32
      %dma_start3A_209 = arith.constant 6 : i32
      %dma_start3A_210 = arith.constant 0 : i32
      %dma_start3A_211 = arith.constant 0 : i32
      %dma_start3A_212 = arith.constant 0 : i32
      %dma_start3A_213 = tpu.memref_slice %arg8[%dma_start3A_210, %dma_start3A_211, %dma_start3A_212] : memref<2x128x128xf32, #tpu.memory_space<vmem>> -> memref<1x128x128xf32, #tpu.memory_space<vmem>>
      %dma_start3A_214 = tpu.memref_squeeze %dma_start3A_213 : memref<1x128x128xf32, #tpu.memory_space<vmem>> -> memref<128x128xf32, #tpu.memory_space<vmem>>
      %dma_start3A_215 = arith.constant 0 : i32
      %dma_start3A_216 = tpu.memref_slice %arg7[%dma_start3A_208, %select_n3A_30, %dma_start3A_209, %dma_start3A_215] : memref<2x2x8x128xi32, #tpu.memory_space<vmem>> -> memref<1x1x1x128xi32, #tpu.memory_space<vmem>>
      %dma_start3A_217 = tpu.memref_squeeze %dma_start3A_216 : memref<1x1x1x128xi32, #tpu.memory_space<vmem>> -> memref<128xi32, #tpu.memory_space<vmem>>
      %dma_start3A_218 = arith.constant 0 : i32
      %dma_start3A_219 = arith.constant 0 : i32
      %dma_start3A_220 = tpu.memref_slice %arg2[%dma_start3A_218, %dma_start3A_219] : memref<10000x128xf32, #tpu.memory_space<hbm>> -> memref<10000x128xf32, #tpu.memory_space<hbm>>
      tpu.enqueue_indirect_dma source(%dma_start3A_220 : memref<10000x128xf32, #tpu.memory_space<hbm>>) target(%dma_start3A_214 : memref<128x128xf32, #tpu.memory_space<vmem>>) offsets(%dma_start3A_217 : memref<128xi32, #tpu.memory_space<vmem>>) semaphore(%arg10 : memref<!tpu.dma_semaphore, #tpu.memory_space<semaphore_mem>>)
      %dma_wait3A_221 = arith.constant 0 : i32
      %dma_wait3A_222 = arith.constant 6 : i32
      %dma_wait3A_223 = arith.constant 0 : i32
      %dma_wait3A_224 = arith.constant 0 : i32
      %dma_wait3A_225 = arith.constant 0 : i32
      %dma_wait3A_226 = tpu.memref_slice %arg8[%dma_wait3A_223, %dma_wait3A_224, %dma_wait3A_225] : memref<2x128x128xf32, #tpu.memory_space<vmem>> -> memref<1x128x128xf32, #tpu.memory_space<vmem>>
      %dma_wait3A_227 = tpu.memref_squeeze %dma_wait3A_226 : memref<1x128x128xf32, #tpu.memory_space<vmem>> -> memref<128x128xf32, #tpu.memory_space<vmem>>
      %dma_wait3A_228 = arith.constant 0 : i32
      %dma_wait3A_229 = tpu.memref_slice %arg7[%dma_wait3A_221, %select_n3A_30, %dma_wait3A_222, %dma_wait3A_228] : memref<2x2x8x128xi32, #tpu.memory_space<vmem>> -> memref<1x1x1x128xi32, #tpu.memory_space<vmem>>
      %dma_wait3A_230 = tpu.memref_squeeze %dma_wait3A_229 : memref<1x1x1x128xi32, #tpu.memory_space<vmem>> -> memref<128xi32, #tpu.memory_space<vmem>>
      %dma_wait3A_231 = arith.constant 0 : i32
      %dma_wait3A_232 = arith.constant 0 : i32
      %dma_wait3A_233 = tpu.memref_slice %arg2[%dma_wait3A_231, %dma_wait3A_232] : memref<10000x128xf32, #tpu.memory_space<hbm>> -> memref<10000x128xf32, #tpu.memory_space<hbm>>
      tpu.wait_indirect_dma semaphore(%arg10 : memref<!tpu.dma_semaphore, #tpu.memory_space<semaphore_mem>>) src(%dma_wait3A_233 : memref<10000x128xf32, #tpu.memory_space<hbm>>) dst(%dma_wait3A_227 : memref<128x128xf32, #tpu.memory_space<vmem>>)
      %run_scoped3A_234 = arith.constant 0 : i32
      %run_scoped3A_235 = arith.constant 1 : i32
      %run_scoped3A_236 = arith.constant 6 : i32
      "tpu.region"() ({
        %run_scoped3A_273 = tpu.sem_alloc : memref<!tpu.dma_semaphore, #tpu.memory_space<semaphore_mem>>
        %dma_start3A_274 = arith.constant 0 : i32
        %dma_start3A_275 = arith.constant 0 : i32
        %dma_start3A_276 = tpu.memref_slice %arg8[%run_scoped3A_234, %dma_start3A_274, %dma_start3A_275] : memref<2x128x128xf32, #tpu.memory_space<vmem>> -> memref<1x128x128xf32, #tpu.memory_space<vmem>>
        %dma_start3A_277 = tpu.memref_squeeze %dma_start3A_276 : memref<1x128x128xf32, #tpu.memory_space<vmem>> -> memref<128x128xf32, #tpu.memory_space<vmem>>
        %dma_start3A_278 = arith.constant 0 : i32
        %dma_start3A_279 = tpu.memref_slice %arg7[%run_scoped3A_235, %select_n3A_30, %run_scoped3A_236, %dma_start3A_278] : memref<2x2x8x128xi32, #tpu.memory_space<vmem>> -> memref<1x1x1x128xi32, #tpu.memory_space<vmem>>
        %dma_start3A_280 = tpu.memref_squeeze %dma_start3A_279 : memref<1x1x1x128xi32, #tpu.memory_space<vmem>> -> memref<128xi32, #tpu.memory_space<vmem>>
        %dma_start3A_281 = arith.constant 0 : i32
        %dma_start3A_282 = arith.constant 0 : i32
        %dma_start3A_283 = tpu.memref_slice %arg9[%dma_start3A_281, %dma_start3A_282] : memref<10112x128xf32, #tpu.memory_space<vmem_shared>> -> memref<10112x128xf32, #tpu.memory_space<vmem_shared>>
        tpu.enqueue_indirect_dma source(%dma_start3A_277 : memref<128x128xf32, #tpu.memory_space<vmem>>) target(%dma_start3A_283 : memref<10112x128xf32, #tpu.memory_space<vmem_shared>>) offsets(%dma_start3A_280 : memref<128xi32, #tpu.memory_space<vmem>>) semaphore(%run_scoped3A_273 : memref<!tpu.dma_semaphore, #tpu.memory_space<semaphore_mem>>) {add = true}
        %dma_wait3A_284 = arith.constant 0 : i32
        %dma_wait3A_285 = arith.constant 0 : i32
        %dma_wait3A_286 = tpu.memref_slice %arg8[%run_scoped3A_234, %dma_wait3A_284, %dma_wait3A_285] : memref<2x128x128xf32, #tpu.memory_space<vmem>> -> memref<1x128x128xf32, #tpu.memory_space<vmem>>
        %dma_wait3A_287 = tpu.memref_squeeze %dma_wait3A_286 : memref<1x128x128xf32, #tpu.memory_space<vmem>> -> memref<128x128xf32, #tpu.memory_space<vmem>>
        %dma_wait3A_288 = arith.constant 0 : i32
        %dma_wait3A_289 = tpu.memref_slice %arg7[%run_scoped3A_235, %select_n3A_30, %run_scoped3A_236, %dma_wait3A_288] : memref<2x2x8x128xi32, #tpu.memory_space<vmem>> -> memref<1x1x1x128xi32, #tpu.memory_space<vmem>>
        %dma_wait3A_290 = tpu.memref_squeeze %dma_wait3A_289 : memref<1x1x1x128xi32, #tpu.memory_space<vmem>> -> memref<128xi32, #tpu.memory_space<vmem>>
        %dma_wait3A_291 = arith.constant 0 : i32
        %dma_wait3A_292 = arith.constant 0 : i32
        %dma_wait3A_293 = tpu.memref_slice %arg9[%dma_wait3A_291, %dma_wait3A_292] : memref<10112x128xf32, #tpu.memory_space<vmem_shared>> -> memref<10112x128xf32, #tpu.memory_space<vmem_shared>>
        tpu.wait_indirect_dma semaphore(%run_scoped3A_273 : memref<!tpu.dma_semaphore, #tpu.memory_space<semaphore_mem>>) src(%dma_wait3A_287 : memref<128x128xf32, #tpu.memory_space<vmem>>) dst(%dma_wait3A_293 : memref<10112x128xf32, #tpu.memory_space<vmem_shared>>)
        tpu.yield
      }) : () -> ()
      %dma_start3A_237 = arith.constant 0 : i32
      %dma_start3A_238 = arith.constant 7 : i32
      %dma_start3A_239 = arith.constant 1 : i32
      %dma_start3A_240 = arith.constant 0 : i32
      %dma_start3A_241 = arith.constant 0 : i32
      %dma_start3A_242 = tpu.memref_slice %arg8[%dma_start3A_239, %dma_start3A_240, %dma_start3A_241] : memref<2x128x128xf32, #tpu.memory_space<vmem>> -> memref<1x128x128xf32, #tpu.memory_space<vmem>>
      %dma_start3A_243 = tpu.memref_squeeze %dma_start3A_242 : memref<1x128x128xf32, #tpu.memory_space<vmem>> -> memref<128x128xf32, #tpu.memory_space<vmem>>
      %dma_start3A_244 = arith.constant 0 : i32
      %dma_start3A_245 = tpu.memref_slice %arg7[%dma_start3A_237, %select_n3A_30, %dma_start3A_238, %dma_start3A_244] : memref<2x2x8x128xi32, #tpu.memory_space<vmem>> -> memref<1x1x1x128xi32, #tpu.memory_space<vmem>>
      %dma_start3A_246 = tpu.memref_squeeze %dma_start3A_245 : memref<1x1x1x128xi32, #tpu.memory_space<vmem>> -> memref<128xi32, #tpu.memory_space<vmem>>
      %dma_start3A_247 = arith.constant 0 : i32
      %dma_start3A_248 = arith.constant 0 : i32
      %dma_start3A_249 = tpu.memref_slice %arg2[%dma_start3A_247, %dma_start3A_248] : memref<10000x128xf32, #tpu.memory_space<hbm>> -> memref<10000x128xf32, #tpu.memory_space<hbm>>
      tpu.enqueue_indirect_dma source(%dma_start3A_249 : memref<10000x128xf32, #tpu.memory_space<hbm>>) target(%dma_start3A_243 : memref<128x128xf32, #tpu.memory_space<vmem>>) offsets(%dma_start3A_246 : memref<128xi32, #tpu.memory_space<vmem>>) semaphore(%arg10 : memref<!tpu.dma_semaphore, #tpu.memory_space<semaphore_mem>>)
      %dma_wait3A_250 = arith.constant 0 : i32
      %dma_wait3A_251 = arith.constant 7 : i32
      %dma_wait3A_252 = arith.constant 1 : i32
      %dma_wait3A_253 = arith.constant 0 : i32
      %dma_wait3A_254 = arith.constant 0 : i32
      %dma_wait3A_255 = tpu.memref_slice %arg8[%dma_wait3A_252, %dma_wait3A_253, %dma_wait3A_254] : memref<2x128x128xf32, #tpu.memory_space<vmem>> -> memref<1x128x128xf32, #tpu.memory_space<vmem>>
      %dma_wait3A_256 = tpu.memref_squeeze %dma_wait3A_255 : memref<1x128x128xf32, #tpu.memory_space<vmem>> -> memref<128x128xf32, #tpu.memory_space<vmem>>
      %dma_wait3A_257 = arith.constant 0 : i32
      %dma_wait3A_258 = tpu.memref_slice %arg7[%dma_wait3A_250, %select_n3A_30, %dma_wait3A_251, %dma_wait3A_257] : memref<2x2x8x128xi32, #tpu.memory_space<vmem>> -> memref<1x1x1x128xi32, #tpu.memory_space<vmem>>
      %dma_wait3A_259 = tpu.memref_squeeze %dma_wait3A_258 : memref<1x1x1x128xi32, #tpu.memory_space<vmem>> -> memref<128xi32, #tpu.memory_space<vmem>>
      %dma_wait3A_260 = arith.constant 0 : i32
      %dma_wait3A_261 = arith.constant 0 : i32
      %dma_wait3A_262 = tpu.memref_slice %arg2[%dma_wait3A_260, %dma_wait3A_261] : memref<10000x128xf32, #tpu.memory_space<hbm>> -> memref<10000x128xf32, #tpu.memory_space<hbm>>
      tpu.wait_indirect_dma semaphore(%arg10 : memref<!tpu.dma_semaphore, #tpu.memory_space<semaphore_mem>>) src(%dma_wait3A_262 : memref<10000x128xf32, #tpu.memory_space<hbm>>) dst(%dma_wait3A_256 : memref<128x128xf32, #tpu.memory_space<vmem>>)
      %add3A_263 = arith.constant 1 : i32
      %add3A_264 = arith.addi %add3A_21, %add3A_263 : i32
      %lt3A_265 = arith.constant 10 : i32
      %lt3A_266 = arith.cmpi slt, %add3A_264, %lt3A_265 : i32
      %convert_element_type3A_267 = arith.extui %lt3A_266 : i1 to i32
      %cond3A_268 = arith.constant 0 : i32
      %cond3A_269 = arith.cmpi ne, %convert_element_type3A_267, %cond3A_268 : i32
      scf.if %cond3A_269 {
        %add3A_273 = arith.constant 1 : i32
        %add3A_274 = arith.addi %add3A_21, %add3A_273 : i32
        %mul3A_275 = arith.constant 8 : i32
        %mul3A_276 = arith.muli %add3A_274, %mul3A_275 : i32
        %sub3A = arith.constant 1 : i32
        %sub3A_277 = arith.subi %sub3A, %select_n3A_30 : i32
        %dma_wait3A_278 = arith.constant 0 : i32
        %dma_wait3A_279 = arith.constant 0 : i32
        %dma_wait3A_280 = arith.constant 0 : i32
        %dma_wait3A_281 = tpu.memref_slice %arg7[%dma_wait3A_278, %sub3A_277, %dma_wait3A_279, %dma_wait3A_280] : memref<2x2x8x128xi32, #tpu.memory_space<vmem>> -> memref<1x1x8x128xi32, #tpu.memory_space<vmem>>
        %dma_wait3A_282 = tpu.memref_squeeze %dma_wait3A_281 : memref<1x1x8x128xi32, #tpu.memory_space<vmem>> -> memref<8x128xi32, #tpu.memory_space<vmem>>
        %dma_wait3A_283 = arith.constant 0 : i32
        %dma_wait3A_284 = tpu.memref_slice %arg3[%add3A, %mul3A_276, %dma_wait3A_283] : memref<32x80x128xi32, #tpu.memory_space<hbm>> -> memref<1x8x128xi32, #tpu.memory_space<hbm>>
        %dma_wait3A_285 = tpu.memref_squeeze %dma_wait3A_284 : memref<1x8x128xi32, #tpu.memory_space<hbm>> -> memref<8x128xi32, #tpu.memory_space<hbm>>
        %dma_wait3A_286 = arith.constant 0 : i32
        %dma_wait3A_287 = arith.constant 0 : i32
        %dma_wait3A_288 = tpu.memref_slice %arg7[%dma_wait3A_278, %sub3A_277, %dma_wait3A_286, %dma_wait3A_287] : memref<2x2x8x128xi32, #tpu.memory_space<vmem>> -> memref<1x1x8x128xi32, #tpu.memory_space<vmem>>
        %dma_wait3A_289 = tpu.memref_squeeze %dma_wait3A_288 : memref<1x1x8x128xi32, #tpu.memory_space<vmem>> -> memref<8x128xi32, #tpu.memory_space<vmem>>
        %dma_wait3A_290 = arith.constant 0 : i32
        %dma_wait3A_291 = tpu.memref_slice %arg3[%add3A, %mul3A_276, %dma_wait3A_290] : memref<32x80x128xi32, #tpu.memory_space<hbm>> -> memref<1x8x128xi32, #tpu.memory_space<hbm>>
        %dma_wait3A_292 = tpu.memref_squeeze %dma_wait3A_291 : memref<1x8x128xi32, #tpu.memory_space<hbm>> -> memref<8x128xi32, #tpu.memory_space<hbm>>
        tpu.wait_dma2 semaphore(%arg11 : memref<!tpu.dma_semaphore, #tpu.memory_space<semaphore_mem>>) src(%dma_wait3A_292 : memref<8x128xi32, #tpu.memory_space<hbm>>) dst(%dma_wait3A_289 : memref<8x128xi32, #tpu.memory_space<vmem>>)
        %add3A_293 = arith.constant 1 : i32
        %add3A_294 = arith.addi %add3A_21, %add3A_293 : i32
        %mul3A_295 = arith.constant 8 : i32
        %mul3A_296 = arith.muli %add3A_294, %mul3A_295 : i32
        %sub3A_297 = arith.constant 1 : i32
        %sub3A_298 = arith.subi %sub3A_297, %select_n3A_30 : i32
        %dma_wait3A_299 = arith.constant 1 : i32
        %dma_wait3A_300 = arith.constant 0 : i32
        %dma_wait3A_301 = arith.constant 0 : i32
        %dma_wait3A_302 = tpu.memref_slice %arg7[%dma_wait3A_299, %sub3A_298, %dma_wait3A_300, %dma_wait3A_301] : memref<2x2x8x128xi32, #tpu.memory_space<vmem>> -> memref<1x1x8x128xi32, #tpu.memory_space<vmem>>
        %dma_wait3A_303 = tpu.memref_squeeze %dma_wait3A_302 : memref<1x1x8x128xi32, #tpu.memory_space<vmem>> -> memref<8x128xi32, #tpu.memory_space<vmem>>
        %dma_wait3A_304 = arith.constant 0 : i32
        %dma_wait3A_305 = tpu.memref_slice %arg4[%add3A, %mul3A_296, %dma_wait3A_304] : memref<32x80x128xi32, #tpu.memory_space<hbm>> -> memref<1x8x128xi32, #tpu.memory_space<hbm>>
        %dma_wait3A_306 = tpu.memref_squeeze %dma_wait3A_305 : memref<1x8x128xi32, #tpu.memory_space<hbm>> -> memref<8x128xi32, #tpu.memory_space<hbm>>
        %dma_wait3A_307 = arith.constant 0 : i32
        %dma_wait3A_308 = arith.constant 0 : i32
        %dma_wait3A_309 = tpu.memref_slice %arg7[%dma_wait3A_299, %sub3A_298, %dma_wait3A_307, %dma_wait3A_308] : memref<2x2x8x128xi32, #tpu.memory_space<vmem>> -> memref<1x1x8x128xi32, #tpu.memory_space<vmem>>
        %dma_wait3A_310 = tpu.memref_squeeze %dma_wait3A_309 : memref<1x1x8x128xi32, #tpu.memory_space<vmem>> -> memref<8x128xi32, #tpu.memory_space<vmem>>
        %dma_wait3A_311 = arith.constant 0 : i32
        %dma_wait3A_312 = tpu.memref_slice %arg4[%add3A, %mul3A_296, %dma_wait3A_311] : memref<32x80x128xi32, #tpu.memory_space<hbm>> -> memref<1x8x128xi32, #tpu.memory_space<hbm>>
        %dma_wait3A_313 = tpu.memref_squeeze %dma_wait3A_312 : memref<1x8x128xi32, #tpu.memory_space<hbm>> -> memref<8x128xi32, #tpu.memory_space<hbm>>
        tpu.wait_dma2 semaphore(%arg11 : memref<!tpu.dma_semaphore, #tpu.memory_space<semaphore_mem>>) src(%dma_wait3A_313 : memref<8x128xi32, #tpu.memory_space<hbm>>) dst(%dma_wait3A_310 : memref<8x128xi32, #tpu.memory_space<vmem>>)
      } else {
      }
      %run_scoped3A_270 = arith.constant 1 : i32
      %run_scoped3A_271 = arith.constant 1 : i32
      %run_scoped3A_272 = arith.constant 7 : i32
      "tpu.region"() ({
        %run_scoped3A_273 = tpu.sem_alloc : memref<!tpu.dma_semaphore, #tpu.memory_space<semaphore_mem>>
        %dma_start3A_274 = arith.constant 0 : i32
        %dma_start3A_275 = arith.constant 0 : i32
        %dma_start3A_276 = tpu.memref_slice %arg8[%run_scoped3A_270, %dma_start3A_274, %dma_start3A_275] : memref<2x128x128xf32, #tpu.memory_space<vmem>> -> memref<1x128x128xf32, #tpu.memory_space<vmem>>
        %dma_start3A_277 = tpu.memref_squeeze %dma_start3A_276 : memref<1x128x128xf32, #tpu.memory_space<vmem>> -> memref<128x128xf32, #tpu.memory_space<vmem>>
        %dma_start3A_278 = arith.constant 0 : i32
        %dma_start3A_279 = tpu.memref_slice %arg7[%run_scoped3A_271, %select_n3A_30, %run_scoped3A_272, %dma_start3A_278] : memref<2x2x8x128xi32, #tpu.memory_space<vmem>> -> memref<1x1x1x128xi32, #tpu.memory_space<vmem>>
        %dma_start3A_280 = tpu.memref_squeeze %dma_start3A_279 : memref<1x1x1x128xi32, #tpu.memory_space<vmem>> -> memref<128xi32, #tpu.memory_space<vmem>>
        %dma_start3A_281 = arith.constant 0 : i32
        %dma_start3A_282 = arith.constant 0 : i32
        %dma_start3A_283 = tpu.memref_slice %arg9[%dma_start3A_281, %dma_start3A_282] : memref<10112x128xf32, #tpu.memory_space<vmem_shared>> -> memref<10112x128xf32, #tpu.memory_space<vmem_shared>>
        tpu.enqueue_indirect_dma source(%dma_start3A_277 : memref<128x128xf32, #tpu.memory_space<vmem>>) target(%dma_start3A_283 : memref<10112x128xf32, #tpu.memory_space<vmem_shared>>) offsets(%dma_start3A_280 : memref<128xi32, #tpu.memory_space<vmem>>) semaphore(%run_scoped3A_273 : memref<!tpu.dma_semaphore, #tpu.memory_space<semaphore_mem>>) {add = true}
        %dma_wait3A_284 = arith.constant 0 : i32
        %dma_wait3A_285 = arith.constant 0 : i32
        %dma_wait3A_286 = tpu.memref_slice %arg8[%run_scoped3A_270, %dma_wait3A_284, %dma_wait3A_285] : memref<2x128x128xf32, #tpu.memory_space<vmem>> -> memref<1x128x128xf32, #tpu.memory_space<vmem>>
        %dma_wait3A_287 = tpu.memref_squeeze %dma_wait3A_286 : memref<1x128x128xf32, #tpu.memory_space<vmem>> -> memref<128x128xf32, #tpu.memory_space<vmem>>
        %dma_wait3A_288 = arith.constant 0 : i32
        %dma_wait3A_289 = tpu.memref_slice %arg7[%run_scoped3A_271, %select_n3A_30, %run_scoped3A_272, %dma_wait3A_288] : memref<2x2x8x128xi32, #tpu.memory_space<vmem>> -> memref<1x1x1x128xi32, #tpu.memory_space<vmem>>
        %dma_wait3A_290 = tpu.memref_squeeze %dma_wait3A_289 : memref<1x1x1x128xi32, #tpu.memory_space<vmem>> -> memref<128xi32, #tpu.memory_space<vmem>>
        %dma_wait3A_291 = arith.constant 0 : i32
        %dma_wait3A_292 = arith.constant 0 : i32
        %dma_wait3A_293 = tpu.memref_slice %arg9[%dma_wait3A_291, %dma_wait3A_292] : memref<10112x128xf32, #tpu.memory_space<vmem_shared>> -> memref<10112x128xf32, #tpu.memory_space<vmem_shared>>
        tpu.wait_indirect_dma semaphore(%run_scoped3A_273 : memref<!tpu.dma_semaphore, #tpu.memory_space<semaphore_mem>>) src(%dma_wait3A_287 : memref<128x128xf32, #tpu.memory_space<vmem>>) dst(%dma_wait3A_293 : memref<10112x128xf32, #tpu.memory_space<vmem_shared>>)
        tpu.yield
      }) : () -> ()
    }
    %scan3A_11 = arith.constant 10 : i32
    %barrier3A_12 = arith.constant 0 : index
    tpu.barrier barrier_id(%barrier3A_12)
    %mul3A_13 = arith.constant 632 : i32
    %mul3A_14 = arith.muli %arg1, %mul3A_13 : i32
    %mul3A_15 = arith.constant 632 : i32
    %mul3A_16 = arith.muli %arg1, %mul3A_15 : i32
    "tpu.region"() ({
      %run_scoped3A_17 = tpu.sem_alloc : memref<!tpu.dma_semaphore, #tpu.memory_space<semaphore_mem>>
      %dma_start3A = arith.constant 0 : i32
      %dma_start3A_18 = tpu.memref_slice %arg6[%arg0, %mul3A_16, %dma_start3A] : memref<2x10112x128xf32, #tpu.memory_space<hbm>> -> memref<1x632x128xf32, #tpu.memory_space<hbm>>
      %dma_start3A_19 = tpu.memref_squeeze %dma_start3A_18 : memref<1x632x128xf32, #tpu.memory_space<hbm>> -> memref<632x128xf32, #tpu.memory_space<hbm>>
      %dma_start3A_20 = arith.constant 0 : i32
      %dma_start3A_21 = tpu.memref_slice %arg9[%mul3A_14, %dma_start3A_20] : memref<10112x128xf32, #tpu.memory_space<vmem_shared>> -> memref<632x128xf32, #tpu.memory_space<vmem_shared>>
      tpu.enqueue_dma source(%dma_start3A_21 : memref<632x128xf32, #tpu.memory_space<vmem_shared>>) target(%dma_start3A_19 : memref<632x128xf32, #tpu.memory_space<hbm>>) target_semaphore(%run_scoped3A_17 : memref<!tpu.dma_semaphore, #tpu.memory_space<semaphore_mem>>)
      %dma_wait3A = arith.constant 0 : i32
      %dma_wait3A_22 = tpu.memref_slice %arg6[%arg0, %mul3A_16, %dma_wait3A] : memref<2x10112x128xf32, #tpu.memory_space<hbm>> -> memref<1x632x128xf32, #tpu.memory_space<hbm>>
      %dma_wait3A_23 = tpu.memref_squeeze %dma_wait3A_22 : memref<1x632x128xf32, #tpu.memory_space<hbm>> -> memref<632x128xf32, #tpu.memory_space<hbm>>
      %dma_wait3A_24 = arith.constant 0 : i32
      %dma_wait3A_25 = tpu.memref_slice %arg9[%mul3A_14, %dma_wait3A_24] : memref<10112x128xf32, #tpu.memory_space<vmem_shared>> -> memref<632x128xf32, #tpu.memory_space<vmem_shared>>
      tpu.wait_dma2 semaphore(%run_scoped3A_17 : memref<!tpu.dma_semaphore, #tpu.memory_space<semaphore_mem>>) src(%dma_wait3A_25 : memref<632x128xf32, #tpu.memory_space<vmem_shared>>) dst(%dma_wait3A_23 : memref<632x128xf32, #tpu.memory_space<hbm>>)
      tpu.yield
    }) : () -> ()
    return
  }
}

</mosaic_0001>

<sc_bundles>
// kernel: _segment_sum_sc.3.cloned.1.call-start
scs
__scs_entry_jumppad:
0x0: {  	(pc) =	sbr.rel $0x88, $3  }
0x1: {  	(tag) =	ssettag $0x0;
	lr =	simm.s32 $0x1  }
0x2: {  	[smem:$0x3F9D] =	sst lr;
	_ =	strace $0xD0000000  }
0x3: {  	_ = 	snop  }
0x4: {  	_ = 	snop  }
0x5: {  	_ = 	snop  }
0x6: {  	_ = 	snop  }
0x7: {  	_ = 	snop  }
__scs_overlays_trampoline_lowered:
0x8: {  	[smem:$0x3FAC] =	sst s0  }
0x9: {  	[smem:$0x3FAD] =	sst s1  }
0xa: {  	[smem:$0x3FAE] =	sst s2  }
0xb: {  	[smem:$0x3FAF] =	sst s3  }
0xc: {  	[smem:$0x3FB0] =	sst s4  }
0xd: {  	[smem:$0x3FB1] =	sst s5  }
0xe: {  	[smem:$0x3FB2] =	sst s6  }
0xf: {  	[smem:$0x3FB3] =	sst s7  }
0x10: {  	[smem:$0x3FB4] =	sst s8  }
0x11: {  	[smem:$0x3FB5] =	sst s9;
	s0 =	simm.s32 @!p0 $0x0  }
0x12: {  	s1 =	sld [smem:$0x3F9B];
	s0 =	simm.s32 @p0 $0x1  }
0x13: {  	[smem:$0x3FB6] =	sst s0;
	s0 =	simm.s32 @!p1 $0x0  }
0x14: {  	s2 =	sld [smem:$0x3F9A];
	s0 =	simm.s32 @p1 $0x1  }
0x15: {  	[smem:$0x3FB7] =	sst s0;
	s0 =	simm.s32 @!p2 $0x0  }
0x16: {  	s3 =	sld [smem:$0x3FDB];
	s0 =	simm.s32 @p2 $0x1  }
0x17: {  	s4 =	simm.s32 $0x1BF5;
	[smem:$0x3FB9] =	sst s0  }
0x18: {  	s0 =	sld [smem:$0x3F9C];
	_ =	swait.ge [sflag:s4], $0x0  }
0x19: {  	s7 =	sld [smem:$0x3F9D]  }
0x1a: {  	s8 =	sadd.s32 $0xFFFFE003, lr  }
0x1b: {  	s9 =	sadd.s32 $0xFFFFFEF7, lr;
	s5 =	simm.s32 $0xFFFFFFFF;
	p2 =	slt.u32 s8, $0xFFFFF086  }
0x1c: {  	p1 =	slt.u32 s9, $0xF7A;
	s5 =	simm.s32 @!p2 $0x0  }
0x1d: {  	s5 =	simm.s32 @p1 $0x1;
	p0 =	seq.s32 s7, s2  }
0x1e: {  	s7 =	smul.u32 @!p0 $0xF7A, s2;
	p2 =	seq.s32 @!p0 s5, $0x0  }
0x1f: {  	s9 =	smul.u32 $0xF7A, s1;
	s8 =	simm.s32 @!p0 $0x1BF5;
	p2 =	por !p2, p0  }
0x20: {  	[sflag:s8] =	ssyncset.s32 @!p0 $0xFFFFF086;
	s6 =	sadd.s32 @!p0 s3, s7;
	s7 =	simm.s32 @!p0 $0x108  }
0x21: {  	s3 =	sadd.s32 s3, s9;
	s6 =	sadd.s32 @!p0 $0x88, s6;
	s7 =	simm.s32 @p2 $0x1082  }
0x22: {  	[simem:s7], [sflag:s8] =	dma.local @!p0 [hbm:s6], $0xF7A  }
0x23: {  	s9 =	sor.u32 $0xD0000000, s2;
	s6 =	simm.s32 $0x108;
	_ =	swait.ge @!p0 [sflag:s8], $0x0  }
0x24: {  	s3 =	sadd.s32 $0x88, s3;
	s6 =	simm.s32 @!p1 $0x1082;
	[sflag:s4] =	ssyncset.s32 $0xFFFFF086  }
0x25: {  	[simem:s6], [sflag:s4] =	dma.local [hbm:s3], $0xF7A  }
0x26: {  	[smem:$0x3F9D] =	sst s1;
	(tag) =	ssettag s2;
	_ =	strace s9  }
0x27: {  	s1 =	sld [smem:$0x3FAD]  }
0x28: {  	s2 =	sld [smem:$0x3FAE]  }
0x29: {  	s4 =	sld [smem:$0x3FB0]  }
0x2a: {  	p0 =	seq.s32 s5, $0x0;
	s5 =	sld [smem:$0x3FB1]  }
0x2b: {  	s6 =	sld [smem:$0x3FB2]  }
0x2c: {  	s7 =	sld [smem:$0x3FB3]  }
0x2d: {  	s3 =	simm.s32 $0x108;
	s8 =	sld [smem:$0x3FB4]  }
0x2e: {  	s3 =	simm.s32 @!p0 $0x1082;
	s9 =	sld [smem:$0x3FB5]  }
0x2f: {  	lr =	sadd.s32 s0, s3;
	s0 =	sld [smem:$0x3FAC]  }
0x30: {  	s3 =	sld [smem:$0x3FAF]  }
0x31: {  	[smem:$0x3FB8] =	sst s10  }
0x32: {  	s10 =	sld [smem:$0x3FB6];
	_ =	sdelay $0x3  }
0x33: {  	p0 =	seq.s32 s10, $0x1;
	s10 =	sld [smem:$0x3FB8];
	_ =	sdelay $0x3  }
0x34: {  	[smem:$0x3FB8] =	sst s10  }
0x35: {  	s10 =	sld [smem:$0x3FB7];
	_ =	sdelay $0x3  }
0x36: {  	p1 =	seq.s32 s10, $0x1;
	s10 =	sld [smem:$0x3FB8];
	_ =	sdelay $0x3  }
0x37: {  	[smem:$0x3FB8] =	sst s10  }
0x38: {  	s10 =	sld [smem:$0x3FB9]  }
0x39: {  	_ = 	snop;
	(pc) =	sbr.ind lr, $3  }
0x3a: {  	_ = 	snop  }
0x3b: {  	_ = 	snop  }
0x3c: {  	p2 =	seq.s32 s10, $0x1;
	s10 =	sld [smem:$0x3FB8]  }
0x3d: {  	_ =	shalt  }
0x3e: {  	_ =	shalt  }
0x3f: {  	_ =	shalt  }
0x40: {  	_ =	shalt  }
0x41: {  	_ =	shalt  }
0x42: {  	_ =	shalt  }
0x43: {  	_ =	shalt  }
0x44: {  	_ =	shalt  }
0x45: {  	_ =	shalt  }
0x46: {  	_ =	shalt  }
0x47: {  	_ =	shalt  }
0x48: {  	_ =	shalt  }
0x49: {  	_ =	shalt  }
0x4a: {  	_ =	shalt  }
0x4b: {  	_ =	shalt  }
0x4c: {  	_ =	shalt  }
0x4d: {  	_ =	shalt  }
0x4e: {  	_ =	shalt  }
0x4f: {  	_ =	shalt  }
0x50: {  	_ =	shalt  }
0x51: {  	_ =	shalt  }
0x52: {  	_ =	shalt  }
0x53: {  	_ =	shalt  }
0x54: {  	_ =	shalt  }
0x55: {  	_ =	shalt  }
0x56: {  	_ =	shalt  }
0x57: {  	_ =	shalt  }
0x58: {  	_ =	shalt  }
0x59: {  	_ =	shalt  }
0x5a: {  	_ =	shalt  }
0x5b: {  	_ =	shalt  }
0x5c: {  	_ =	shalt  }
0x5d: {  	_ =	shalt  }
0x5e: {  	_ =	shalt  }
0x5f: {  	_ =	shalt  }
0x60: {  	_ =	shalt  }
0x61: {  	_ =	shalt  }
0x62: {  	_ =	shalt  }
0x63: {  	_ =	shalt  }
0x64: {  	_ =	shalt  }
0x65: {  	_ =	shalt  }
0x66: {  	_ =	shalt  }
0x67: {  	_ =	shalt  }
0x68: {  	_ =	shalt  }
0x69: {  	_ =	shalt  }
0x6a: {  	_ =	shalt  }
0x6b: {  	_ =	shalt  }
0x6c: {  	_ =	shalt  }
0x6d: {  	_ =	shalt  }
0x6e: {  	_ =	shalt  }
0x6f: {  	_ =	shalt  }
0x70: {  	_ =	shalt  }
0x71: {  	_ =	shalt  }
0x72: {  	_ =	shalt  }
0x73: {  	_ =	shalt  }
0x74: {  	_ =	shalt  }
0x75: {  	_ =	shalt  }
0x76: {  	_ =	shalt  }
0x77: {  	_ =	shalt  }
0x78: {  	_ =	shalt  }
0x79: {  	_ =	shalt  }
0x7a: {  	_ =	shalt  }
0x7b: {  	_ =	shalt  }
0x7c: {  	_ =	shalt  }
0x7d: {  	_ =	shalt  }
0x7e: {  	_ =	shalt  }
0x7f: {  	_ =	shalt  }
0x80: {  	_ =	shalt  }
0x81: {  	_ =	shalt  }
0x82: {  	_ =	shalt  }
0x83: {  	_ =	shalt  }
0x84: {  	_ =	shalt  }
0x85: {  	_ =	shalt  }
0x86: {  	_ =	shalt  }
0x87: {  	_ =	shalt  }
.Lfunc_end0:
.L_simem_size_0:
called_computation_lowered:
.L_overlay_start_0:
0x88: {  	s2 =	sld [smem:$0x3FD9]  }
0x89: {  	s3 =	sld [smem:$0x3FFE];
	_ =	sdelay $0x1  }
0x8a: {  	s1 =	srdreg.scid  }
0x8b: {  	s0 =	sand.u32 $0x1, s1  }
0x8c: {  	s18 =	sshll.u32 s0, $0xA;
	s2 =	sadd.s32 s3, s2  }
0x8d: {  	s2 =	sadd.s32 s2, s18  }
0x8e: {  	[smem:$0x3FC4] =	sst s2  }
0x8f: {  	_ = 	snop  }
0x90: {  	s2 =	sld [smem:$0x3FC9]  }
0x91: {  	s19 =	sld [smem:$0x3FC8]  }
0x92: {  	s4 =	sld [smem:$0x3FC7]  }
0x93: {  	s5 =	sld [smem:$0x3FC6]  }
0x94: {  	s6 =	sld [smem:$0x3FD0];
	(tm) =	ssettm $0x1  }
0x95: {  	s7 =	sld [smem:$0x3FFB];
	_ =	sdelay $0x3  }
0x96: {  	_ =	strace s7  }
0x97: {  	s7 =	sld [smem:$0x3FFC];
	_ =	sdelay $0x3  }
0x98: {  	_ =	strace s7  }
0x99: {  	s7 =	sld [smem:$0x3FFD];
	_ =	sdelay $0x3  }
0x9a: {  	_ =	strace s7  }
0x9b: {  	_ =	strace $0x8FFFFFFF  }
0x9c: {  	s20 =	sld [smem:$0x3FDB];
	_ =	sdelay $0x1  }
0x9d: {  	s8 =	simm.s32 $_scs_section_size  }
0x9e: {  	s9 =	simm.s32 $_size__tile_overlayer_lowered;
	s10 =	simm.s32 $_tile_overlayer_lowered  }
0x9f: {  	s23 =	simm.s32 $0x1BFF;
	s22 =	sshll.u32 s10, $0x1;
	s7 =	sadd.s32 s8, s20  }
0xa0: {  	s11 =	simm.s32 $0x0;
	s21 =	sshll.u32 s9, $0x1;
	s9 =	sadd.s32 s22, s7  }
0xa1: {  	[timem:s11], [sflag:s23] =	dma.local [hbm:s9], s21  }
0xa2: {  	_ =	swait.ge [sflag:s23], s21  }
0xa3: {  	s8 =	ssub.s32 $0x0, s21;
	[sflag:s23] =	ssyncset.done $0x0  }
0xa4: {  	[sflag:s23] =	ssyncadd.s32 s8;
	_ =	sdelay $0x1  }
0xa5: {  	s24 =	simm.s32 $0x1B8B  }
0xa6: {  	_ =	swait.ge [sflag:s24], $0x1  }
0xa7: {  	[sflag:s24] =	ssyncset.done $0x0  }
0xa8: {  	s25 =	simm.s32 $0x1B8E;
	[sflag:s24] =	ssyncadd.s32 $0xFFFFFFFF  }
0xa9: {  	s26 =	simm.s32 $execute0_lowered;
	[smem:$0x3FD2] =	sst s25  }
0xaa: {  	s8 =	sshll.u32 s26, $0x1;
	_ =	strace $0x80000046;
	[dreg:$0x1] =	wrdreg $0xFFFFFFFF  }
0xab: {  	s28 =	simm.s32 $_size_execute0_lowered;
	s7 =	sadd.s32 s7, s8;
	[dreg:$0x0] =	wrdreg $0x0  }
0xac: {  	s8 =	sshll.u32 s28, $0x1;
	[dreg:$0x2] =	wrdreg s7  }
0xad: {  	[dreg:$0x3] =	wrdreg s8  }
0xae: {  	[dreg:$0x4] =	wrdreg $0xC0  }
0xaf: {  	_ =	task [dreg:s11], $0x5FFFF  }
0xb0: {  	[dreg:$0x1] =	wrdreg $0xFFFFFFFF  }
0xb1: {  	[dreg:$0x0] =	wrdreg $0x60  }
0xb2: {  	[dreg:$0x2] =	wrdreg s2  }
0xb3: {  	[dreg:$0x3] =	wrdreg s19  }
0xb4: {  	[dreg:$0x4] =	wrdreg s4  }
0xb5: {  	[dreg:$0x5] =	wrdreg s5  }
0xb6: {  	[dreg:$0x6] =	wrdreg s6  }
0xb7: {  	[dreg:$0x7] =	wrdreg $0x90000  }
0xb8: {  	[dreg:$0x8] =	wrdreg $0x9  }
0xb9: {  	_ =	task.clear_ibuf [dreg:s11], $0x9FFFF;
	_ =	strace $0x90000046  }
0xba: {  	s29 =	simm.s32 $0x9;
	_ =	strace $0x80000048  }
0xbb: {  	_ =	swait.ge [sflag:s29], $0x1  }
0xbc: {  	[sflag:s29] =	ssyncadd.s32 $0xFFFFFFFF  }
0xbd: {  	_ =	strace $0x90000048  }
0xbe: {  	_ =	sfence  }
0xbf: {  	s30 =	sld [smem:$0x0];
	_ =	sdelay $0x2  }
0xc0: {  	s31 =	sshll.u32 s1, $0xD;
	s1 =	sshrl.u32 s1, $0x2  }
0xc1: {  	s3 =	sand.u32 $0x4000, s31;
	s1 =	sadd.s32 s1, s30  }
0xc2: {  	s0 =	sor.u32 s3, s0;
	s1 =	sshll.u32 s1, $0x11  }
0xc3: {  	s0 =	sor.u32 s1, s0  }
0xc4: {  	s0 =	sadd.s32 $0x8F2B, s0  }
0xc5: {  	[sflag:s0] =	ssyncadd.remote.s32 $0x1  }
0xc6: {  	_ =	sfence.sel $0xFFFF  }
0xc7: {  	[dreg:$0x0] =	wrdreg $0xFFFFFFFF;
	(pc) =	sbr.abs _section_cstart, $3  }
0xc8: {  	[dreg:$0x1] =	wrdreg $0xFFFFFFFF  }
0xc9: {  	_ =	task.clear_ibuf [dreg:s11], $0x2FFFF;
	_ =	strace $0x9FFFFFFF  }
0xca: {  	(tm) =	ssettm $0x7FFFFFFF  }
0xcb: {  	_ =	shalt  }
tec
execute0_lowered:
.L_overlay_start_1:
0x0: {  	(tag) =	ssettag $0x1  }
0x1: {  	s1 =	rddreg [dreg:$0x0]  }
0x2: {  	s12 =	rddreg [dreg:$0x1]  }
0x3: {  	s11 =	rddreg [dreg:$0x2]  }
0x4: {  	s5 =	rddreg [dreg:$0x3]  }
0x5: {  	s9 =	rddreg [dreg:$0x4]  }
0x6: {  	s2 =	rddreg [dreg:$0x5]  }
0x7: {  	s0 =	rddreg [dreg:$0x6];
	s4 =	simm.s32 $0x0  }
0x8: {  	s6 =	srdreg.scid;
	s3 =	stileid.u32;
	s18 =	simm.s32 $0x1  }
0x9: {  	s19 =	simm.s32 $0x5000;
	s20 =	simm.s32 $0x0;
	s7 =	smul.u32 $0x4F000, s3  }
0xa: {  	[smem:$0x7FF] =	sst s4;
	s6 =	sand.u32 $0x1, s6;
	s13 =	smul.u32 $0x13C00, s3  }
0xb: {  	s8 =	sshll.u32 s3, $0x1;
	s29 =	smul.u32 $0x5000, s3;
	s31 =	sshll.u32 s3, $0x6  }
0xc: {  	s10 =	ssub.s32 $0x2, s6;
	s8 =	sor.u32 s6, s8;
	s16 =	smul.u32 $0x2800, s6  }
0xd: {  	_ =	strace $0x80000047;
	s17 =	smul.u32 $0x13C000, s6;
	s6 =	sor.u32 $0x1C03, s31  }
0xe: {  	s14 =	sshrl.u32 s10, $0x1;
	s8 =	smul.u32 $0x2800, s8;
	s7 =	sshrl.u32 s7, $0x2  }
0xf: {  	s30 =	sshrl.u32 s13, $0x3;
	s10 =	ssub.s32 s10, s14;
	s15 =	sadd.s32 s7, s2  }
0x10: {  	s5 =	sadd.s32 s5, s30;
	s14 =	sadd.s32 s16, s29;
	s13 =	sadd.s32 s13, s17  }
0x11: {  	s16 =	simm.s32 $0x80;
	s17 =	simm.s32 $0x1000;
	s8 =	sshrl.u32 s8, $0x3  }
0x12: {  	s14 =	sor.u32 $0x400, s14;
	s13 =	sshrl.u32 s13, $0x3;
	s10 =	smax.u32 s10, $0x1  }
0x13: {  	s7 =	sadd.s32 s12, s8;
	s8 =	sadd.s32 s11, s8;
	s14 =	sshrl.u32 s14, $0x3  }
0x14: {  	s9 =	sadd.s32 s9, s13;
	s13 =	sshrl.u32 s15, $0x3;
	s15 =	simm.s32 $0x800  }
0x15: {  	s11 =	sadd.s32 s14, s11;
	s12 =	sadd.s32 s14, s12;
	s14 =	simm.s32 $0x3  }
.LBB2_1:
0x16: {  	[spmem:s13], [sflag:s6] =	dma.local [hbm:s5], $0x2780  }
0x17: {  	_ =	swait.ge [sflag:s14], $0x2780  }
0x18: {  	[sflag:s14] =	ssyncset.done $0x0  }
0x19: {  	[sflag:s14] =	ssyncadd.s32 $0xFFFFD880  }
0x1a: {  	[tilespmem:s4], [sflag:$0x3] =	stream.linear.gather [hbm4b:s7+s4], $0x400, $0x38;
	[tilespmem:$0x1CC00] =	vst v63  }
0x1b: {  	_ =	swait.ge [sflag:s14], $0x400  }
0x1c: {  	[sflag:s14] =	ssyncset.done $0x0  }
0x1d: {  	[sflag:s14] =	ssyncadd.s32 $0xFFFFFC00  }
0x1e: {  	[tilespmem:s15], [sflag:$0x3] =	stream.linear.gather [hbm4b:s8+s4], $0x400, $0x38;
	[tilespmem:$0x1CC00] =	vst v63  }
0x1f: {  	_ =	swait.ge [sflag:s14], $0x400  }
0x20: {  	s21 =	sand.u32 $0x1, s4;
	p0 =	por $0x0, $0x0;
	[sflag:s14] =	ssyncset.done $0x0  }
0x21: {  	s22 =	sshll.u32 @!p0 s21, $0xA;
	[sflag:s14] =	ssyncadd.s32 $0xFFFFFC00  }
0x22: {  	s23 =	simm.s32 @!p0 $0x0;
	s24 =	sxor.u32 @!p0 $0x400, s22;
	[bflag:$0x0] =	sbarrier.arrive $0xFFFF  }
0x23: {  	[tilespmem:s24], [sflag:$0x2] =	stream.linear.gather @!p0 [hbm4b:s12+s23], $0x400, $0x38;
	[tilespmem:$0x1CC00] =	vst v63  }
0x24: {  	s22 =	sxor.u32 @!p0 $0xC00, s22  }
0x25: {  	[tilespmem:s22], [sflag:$0x2] =	stream.linear.gather @!p0 [hbm4b:s11+s23], $0x400, $0x38;
	[tilespmem:$0x1CC00] =	vst v63  }
0x26: {  	s22 =	sshll.u32 s21, $0xA  }
0x27: {  	[tilespmem:s17], [sflag:$0x1] =	stream.indirect.gather [hbm4b:s1+s16], $0x80, s22, s16, $0xb8;
	[tilespmem:$0x1CC00] =	vst v63  }
0x28: {  	_ =	swait.ge [sflag:s18], $0x4000  }
0x29: {  	[sflag:s18] =	ssyncset.done $0x0  }
0x2a: {  	s21 =	sor.u32 $0x800, s22;
	[sflag:s18] =	ssyncadd.s32 $0xFFFFC000  }
0x2b: {  	[spmem:s2] =	stream.indirect.scatter.add.f32 [tilespmem:s17], [sflag:$0x3], $0x80, s21, s16, $0xb8;
	[tilespmem:$0x1CC00] =	vst v63  }
0x2c: {  	_ =	swait.ge [sflag:s14], $0x4000  }
0x2d: {  	[sflag:s14] =	ssyncset.done $0x0  }
0x2e: {  	s23 =	sor.u32 $0x80, s22;
	[sflag:s14] =	ssyncadd.s32 $0xFFFFC000  }
0x2f: {  	[tilespmem:s19], [sflag:$0x1] =	stream.indirect.gather [hbm4b:s1+s16], $0x80, s23, s16, $0xb8;
	[tilespmem:$0x1CC00] =	vst v63  }
0x30: {  	_ =	swait.ge [sflag:s18], $0x4000  }
0x31: {  	[sflag:s18] =	ssyncset.done $0x0  }
0x32: {  	s24 =	sor.u32 $0x880, s22;
	[sflag:s18] =	ssyncadd.s32 $0xFFFFC000  }
0x33: {  	[spmem:s2] =	stream.indirect.scatter.add.f32 [tilespmem:s19], [sflag:$0x3], $0x80, s24, s16, $0xb8;
	[tilespmem:$0x1CC00] =	vst v63  }
0x34: {  	_ =	swait.ge [sflag:s14], $0x4000  }
0x35: {  	[sflag:s14] =	ssyncset.done $0x0  }
0x36: {  	s25 =	sor.u32 $0x100, s22;
	[sflag:s14] =	ssyncadd.s32 $0xFFFFC000  }
0x37: {  	[tilespmem:s17], [sflag:$0x1] =	stream.indirect.gather [hbm4b:s1+s16], $0x80, s25, s16, $0xb8;
	[tilespmem:$0x1CC00] =	vst v63  }
0x38: {  	_ =	swait.ge [sflag:s18], $0x4000  }
0x39: {  	[sflag:s18] =	ssyncset.done $0x0  }
0x3a: {  	s26 =	sor.u32 $0x900, s22;
	[sflag:s18] =	ssyncadd.s32 $0xFFFFC000  }
0x3b: {  	[spmem:s2] =	stream.indirect.scatter.add.f32 [tilespmem:s17], [sflag:$0x3], $0x80, s26, s16, $0xb8;
	[tilespmem:$0x1CC00] =	vst v63  }
0x3c: {  	_ =	swait.ge [sflag:s14], $0x4000  }
0x3d: {  	[sflag:s14] =	ssyncset.done $0x0  }
0x3e: {  	s29 =	sor.u32 $0x180, s22;
	[sflag:s14] =	ssyncadd.s32 $0xFFFFC000  }
0x3f: {  	[tilespmem:s19], [sflag:$0x1] =	stream.indirect.gather [hbm4b:s1+s16], $0x80, s29, s16, $0xb8;
	[tilespmem:$0x1CC00] =	vst v63  }
0x40: {  	_ =	swait.ge [sflag:s18], $0x4000  }
0x41: {  	[sflag:s18] =	ssyncset.done $0x0  }
0x42: {  	s30 =	sor.u32 $0x980, s22;
	[sflag:s18] =	ssyncadd.s32 $0xFFFFC000  }
0x43: {  	[spmem:s2] =	stream.indirect.scatter.add.f32 [tilespmem:s19], [sflag:$0x3], $0x80, s30, s16, $0xb8;
	[tilespmem:$0x1CC00] =	vst v63  }
0x44: {  	_ =	swait.ge [sflag:s14], $0x4000  }
0x45: {  	[sflag:s14] =	ssyncset.done $0x0  }
0x46: {  	s31 =	sor.u32 $0x200, s22;
	[sflag:s14] =	ssyncadd.s32 $0xFFFFC000  }
0x47: {  	[tilespmem:s17], [sflag:$0x1] =	stream.indirect.gather [hbm4b:s1+s16], $0x80, s31, s16, $0xb8;
	[tilespmem:$0x1CC00] =	vst v63  }
0x48: {  	_ =	swait.ge [sflag:s18], $0x4000  }
0x49: {  	[sflag:s18] =	ssyncset.done $0x0  }
0x4a: {  	s23 =	sor.u32 $0xA00, s22;
	[sflag:s18] =	ssyncadd.s32 $0xFFFFC000  }
0x4b: {  	[spmem:s2] =	stream.indirect.scatter.add.f32 [tilespmem:s17], [sflag:$0x3], $0x80, s23, s16, $0xb8;
	[tilespmem:$0x1CC00] =	vst v63  }
0x4c: {  	_ =	swait.ge [sflag:s14], $0x4000  }
0x4d: {  	[sflag:s14] =	ssyncset.done $0x0  }
0x4e: {  	s24 =	sor.u32 $0x280, s22;
	[sflag:s14] =	ssyncadd.s32 $0xFFFFC000  }
0x4f: {  	[tilespmem:s19], [sflag:$0x1] =	stream.indirect.gather [hbm4b:s1+s16], $0x80, s24, s16, $0xb8;
	[tilespmem:$0x1CC00] =	vst v63  }
0x50: {  	_ =	swait.ge [sflag:s18], $0x4000  }
0x51: {  	[sflag:s18] =	ssyncset.done $0x0  }
0x52: {  	s25 =	sor.u32 $0xA80, s22;
	[sflag:s18] =	ssyncadd.s32 $0xFFFFC000  }
0x53: {  	[spmem:s2] =	stream.indirect.scatter.add.f32 [tilespmem:s19], [sflag:$0x3], $0x80, s25, s16, $0xb8;
	[tilespmem:$0x1CC00] =	vst v63  }
0x54: {  	_ =	swait.ge [sflag:s14], $0x4000  }
0x55: {  	[sflag:s14] =	ssyncset.done $0x0  }
0x56: {  	s26 =	sor.u32 $0x300, s22;
	[sflag:s14] =	ssyncadd.s32 $0xFFFFC000  }
0x57: {  	[tilespmem:s17], [sflag:$0x1] =	stream.indirect.gather [hbm4b:s1+s16], $0x80, s26, s16, $0xb8;
	[tilespmem:$0x1CC00] =	vst v63  }
0x58: {  	_ =	swait.ge [sflag:s18], $0x4000  }
0x59: {  	[sflag:s18] =	ssyncset.done $0x0  }
0x5a: {  	s29 =	sor.u32 $0xB00, s22;
	[sflag:s18] =	ssyncadd.s32 $0xFFFFC000  }
0x5b: {  	[spmem:s2] =	stream.indirect.scatter.add.f32 [tilespmem:s17], [sflag:$0x3], $0x80, s29, s16, $0xb8;
	[tilespmem:$0x1CC00] =	vst v63  }
0x5c: {  	_ =	swait.ge [sflag:s14], $0x4000  }
0x5d: {  	[sflag:s14] =	ssyncset.done $0x0  }
0x5e: {  	s30 =	sor.u32 $0x380, s22;
	[sflag:s14] =	ssyncadd.s32 $0xFFFFC000  }
0x5f: {  	[tilespmem:s19], [sflag:$0x1] =	stream.indirect.gather [hbm4b:s1+s16], $0x80, s30, s16, $0xb8;
	[tilespmem:$0x1CC00] =	vst v63  }
0x60: {  	_ =	swait.ge [sflag:s18], $0x4000  }
0x61: {  	[sflag:s18] =	ssyncset.done $0x0  }
0x62: {  	s24 =	simm.s32 @!p0 $0x2;
	[sflag:s18] =	ssyncadd.s32 $0xFFFFC000  }
0x63: {  	_ =	swait.ge @!p0 [sflag:s24], $0x400  }
0x64: {  	[sflag:s24] =	ssyncset.done @!p0 $0x0  }
0x65: {  	[sflag:s24] =	ssyncadd.s32 @!p0 $0xFFFFFC00  }
0x66: {  	s21 =	sadd.s32 $0x80, s12;
	_ =	swait.ge @!p0 [sflag:s24], $0x400  }
0x67: {  	s31 =	sadd.s32 $0xB80, s22;
	s22 =	sadd.s32 $0x80, s11;
	[sflag:s24] =	ssyncset.done @!p0 $0x0  }
0x68: {  	s23 =	simm.s32 $0x2;
	s25 =	simm.s32 $0x1;
	[sflag:s24] =	ssyncadd.s32 @!p0 $0xFFFFFC00  }
0x69: {  	[spmem:s2] =	stream.indirect.scatter.add.f32 [tilespmem:s19], [sflag:$0x3], $0x80, s31, s16, $0xb8;
	[tilespmem:$0x1CC00] =	vst v63  }
0x6a: {  	s25 =	sand.u32 $0x1, s25;
	p0 =	por $0x0, $0x0;
	_ =	swait.ge [sflag:s14], $0x4000  }
0x6b: {  	s28 =	sshll.u32 @!p0 s25, $0xA;
	s26 =	simm.s32 @!p0 $0x0;
	[sflag:s14] =	ssyncset.done $0x0  }
.LBB2_2:
0x6c: {  	s29 =	sxor.u32 @!p0 $0x400, s28  }
0x6d: {  	[sflag:s14] =	ssyncadd.s32 $0xFFFFC000;
	s24 =	smov.u32 s23;
	s23 =	sadd.s32 $0x1, s23  }
0x6e: {  	[tilespmem:s29], [sflag:$0x2] =	stream.linear.gather @!p0 [hbm4b:s21+s26], $0x400, $0x38;
	[tilespmem:$0x1CC00] =	vst v63  }
0x6f: {  	s28 =	sxor.u32 @!p0 $0xC00, s28;
	p1 =	sne.s32 s23, $0xA  }
0x70: {  	[tilespmem:s28], [sflag:$0x2] =	stream.linear.gather @!p0 [hbm4b:s22+s26], $0x400, $0x38;
	[tilespmem:$0x1CC00] =	vst v63  }
0x71: {  	s25 =	sshll.u32 s25, $0xA  }
0x72: {  	[tilespmem:s17], [sflag:$0x1] =	stream.indirect.gather [hbm4b:s1+s16], $0x80, s25, s16, $0xb8;
	[tilespmem:$0x1CC00] =	vst v63  }
0x73: {  	_ =	swait.ge [sflag:s18], $0x4000  }
0x74: {  	[sflag:s18] =	ssyncset.done $0x0  }
0x75: {  	s26 =	sor.u32 $0x800, s25;
	[sflag:s18] =	ssyncadd.s32 $0xFFFFC000  }
0x76: {  	[spmem:s2] =	stream.indirect.scatter.add.f32 [tilespmem:s17], [sflag:$0x3], $0x80, s26, s16, $0xb8;
	[tilespmem:$0x1CC00] =	vst v63  }
0x77: {  	_ =	swait.ge [sflag:s14], $0x4000  }
0x78: {  	[sflag:s14] =	ssyncset.done $0x0  }
0x79: {  	s26 =	sor.u32 $0x80, s25;
	[sflag:s14] =	ssyncadd.s32 $0xFFFFC000  }
0x7a: {  	[tilespmem:s19], [sflag:$0x1] =	stream.indirect.gather [hbm4b:s1+s16], $0x80, s26, s16, $0xb8;
	[tilespmem:$0x1CC00] =	vst v63  }
0x7b: {  	_ =	swait.ge [sflag:s18], $0x4000  }
0x7c: {  	[sflag:s18] =	ssyncset.done $0x0  }
0x7d: {  	s26 =	sor.u32 $0x880, s25;
	[sflag:s18] =	ssyncadd.s32 $0xFFFFC000  }
0x7e: {  	[spmem:s2] =	stream.indirect.scatter.add.f32 [tilespmem:s19], [sflag:$0x3], $0x80, s26, s16, $0xb8;
	[tilespmem:$0x1CC00] =	vst v63  }
0x7f: {  	_ =	swait.ge [sflag:s14], $0x4000  }
0x80: {  	[sflag:s14] =	ssyncset.done $0x0  }
0x81: {  	s26 =	sor.u32 $0x100, s25;
	[sflag:s14] =	ssyncadd.s32 $0xFFFFC000  }
0x82: {  	[tilespmem:s17], [sflag:$0x1] =	stream.indirect.gather [hbm4b:s1+s16], $0x80, s26, s16, $0xb8;
	[tilespmem:$0x1CC00] =	vst v63  }
0x83: {  	_ =	swait.ge [sflag:s18], $0x4000  }
0x84: {  	[sflag:s18] =	ssyncset.done $0x0  }
0x85: {  	s26 =	sor.u32 $0x900, s25;
	[sflag:s18] =	ssyncadd.s32 $0xFFFFC000  }
0x86: {  	[spmem:s2] =	stream.indirect.scatter.add.f32 [tilespmem:s17], [sflag:$0x3], $0x80, s26, s16, $0xb8;
	[tilespmem:$0x1CC00] =	vst v63  }
0x87: {  	_ =	swait.ge [sflag:s14], $0x4000  }
0x88: {  	[sflag:s14] =	ssyncset.done $0x0  }
0x89: {  	s26 =	sor.u32 $0x180, s25;
	[sflag:s14] =	ssyncadd.s32 $0xFFFFC000  }
0x8a: {  	[tilespmem:s19], [sflag:$0x1] =	stream.indirect.gather [hbm4b:s1+s16], $0x80, s26, s16, $0xb8;
	[tilespmem:$0x1CC00] =	vst v63  }
0x8b: {  	_ =	swait.ge [sflag:s18], $0x4000  }
0x8c: {  	[sflag:s18] =	ssyncset.done $0x0  }
0x8d: {  	s26 =	sor.u32 $0x980, s25;
	[sflag:s18] =	ssyncadd.s32 $0xFFFFC000  }
0x8e: {  	[spmem:s2] =	stream.indirect.scatter.add.f32 [tilespmem:s19], [sflag:$0x3], $0x80, s26, s16, $0xb8;
	[tilespmem:$0x1CC00] =	vst v63  }
0x8f: {  	_ =	swait.ge [sflag:s14], $0x4000  }
0x90: {  	[sflag:s14] =	ssyncset.done $0x0  }
0x91: {  	s26 =	sor.u32 $0x200, s25;
	[sflag:s14] =	ssyncadd.s32 $0xFFFFC000  }
0x92: {  	[tilespmem:s17], [sflag:$0x1] =	stream.indirect.gather [hbm4b:s1+s16], $0x80, s26, s16, $0xb8;
	[tilespmem:$0x1CC00] =	vst v63  }
0x93: {  	_ =	swait.ge [sflag:s18], $0x4000  }
0x94: {  	[sflag:s18] =	ssyncset.done $0x0  }
0x95: {  	s26 =	sor.u32 $0xA00, s25;
	[sflag:s18] =	ssyncadd.s32 $0xFFFFC000  }
0x96: {  	[spmem:s2] =	stream.indirect.scatter.add.f32 [tilespmem:s17], [sflag:$0x3], $0x80, s26, s16, $0xb8;
	[tilespmem:$0x1CC00] =	vst v63  }
0x97: {  	_ =	swait.ge [sflag:s14], $0x4000  }
0x98: {  	[sflag:s14] =	ssyncset.done $0x0  }
0x99: {  	s26 =	sor.u32 $0x280, s25;
	[sflag:s14] =	ssyncadd.s32 $0xFFFFC000  }
0x9a: {  	[tilespmem:s19], [sflag:$0x1] =	stream.indirect.gather [hbm4b:s1+s16], $0x80, s26, s16, $0xb8;
	[tilespmem:$0x1CC00] =	vst v63  }
0x9b: {  	_ =	swait.ge [sflag:s18], $0x4000  }
0x9c: {  	[sflag:s18] =	ssyncset.done $0x0  }
0x9d: {  	s26 =	sor.u32 $0xA80, s25;
	[sflag:s18] =	ssyncadd.s32 $0xFFFFC000  }
0x9e: {  	[spmem:s2] =	stream.indirect.scatter.add.f32 [tilespmem:s19], [sflag:$0x3], $0x80, s26, s16, $0xb8;
	[tilespmem:$0x1CC00] =	vst v63  }
0x9f: {  	_ =	swait.ge [sflag:s14], $0x4000  }
0xa0: {  	[sflag:s14] =	ssyncset.done $0x0  }
0xa1: {  	s26 =	sor.u32 $0x300, s25;
	[sflag:s14] =	ssyncadd.s32 $0xFFFFC000  }
0xa2: {  	[tilespmem:s17], [sflag:$0x1] =	stream.indirect.gather [hbm4b:s1+s16], $0x80, s26, s16, $0xb8;
	[tilespmem:$0x1CC00] =	vst v63  }
0xa3: {  	_ =	swait.ge [sflag:s18], $0x4000  }
0xa4: {  	[sflag:s18] =	ssyncset.done $0x0  }
0xa5: {  	s26 =	sor.u32 $0xB00, s25;
	[sflag:s18] =	ssyncadd.s32 $0xFFFFC000  }
0xa6: {  	[spmem:s2] =	stream.indirect.scatter.add.f32 [tilespmem:s17], [sflag:$0x3], $0x80, s26, s16, $0xb8;
	[tilespmem:$0x1CC00] =	vst v63  }
0xa7: {  	_ =	swait.ge [sflag:s14], $0x4000  }
0xa8: {  	[sflag:s14] =	ssyncset.done $0x0  }
0xa9: {  	s26 =	sor.u32 $0x380, s25;
	[sflag:s14] =	ssyncadd.s32 $0xFFFFC000  }
0xaa: {  	[tilespmem:s19], [sflag:$0x1] =	stream.indirect.gather [hbm4b:s1+s16], $0x80, s26, s16, $0xb8;
	[tilespmem:$0x1CC00] =	vst v63  }
0xab: {  	_ =	swait.ge [sflag:s18], $0x4000  }
0xac: {  	[sflag:s18] =	ssyncset.done $0x0  }
0xad: {  	s26 =	simm.s32 @!p0 $0x2;
	[sflag:s18] =	ssyncadd.s32 $0xFFFFC000  }
0xae: {  	_ =	swait.ge @!p0 [sflag:s26], $0x400  }
0xaf: {  	[sflag:s26] =	ssyncset.done @!p0 $0x0  }
0xb0: {  	[sflag:s26] =	ssyncadd.s32 @!p0 $0xFFFFFC00  }
0xb1: {  	_ =	swait.ge @!p0 [sflag:s26], $0x400  }
.Ltmp0:
0xb2: {  	s21 =	sadd.s32 $0x80, s21;
	[sflag:s26] =	ssyncset.done @!p0 $0x0;
	(pc) =	sbr.rel @p1 .LBB2_2-.Ltmp0, $4  }
0xb3: {  	s22 =	sadd.s32 $0x80, s22;
	s25 =	sadd.s32 $0xB80, s25;
	[sflag:s26] =	ssyncadd.s32 @!p0 $0xFFFFFC00  }
0xb4: {  	[spmem:s2] =	stream.indirect.scatter.add.f32 [tilespmem:s19], [sflag:$0x3], $0x80, s25, s16, $0xb8;
	[tilespmem:$0x1CC00] =	vst v63  }
0xb5: {  	p0 =	seq.s32 s24, $0x9;
	s25 =	sand.u32 $0x1, s24;
	_ =	swait.ge [sflag:s14], $0x4000  }
0xb6: {  	s26 =	simm.s32 @!p0 $0x0;
	s28 =	sshll.u32 @!p0 s25, $0xA;
	[sflag:s14] =	ssyncset.done $0x0  }
0xb7: {  	s23 =	sxor.u32 @!p0 $0x400, s28;
	[sflag:s14] =	ssyncadd.s32 $0xFFFFC000  }
0xb8: {  	[tilespmem:s23], [sflag:$0x2] =	stream.linear.gather @!p0 [hbm4b:s21+s26], $0x400, $0x38;
	[tilespmem:$0x1CC00] =	vst v63  }
0xb9: {  	s21 =	sxor.u32 @!p0 $0xC00, s28  }
0xba: {  	[tilespmem:s21], [sflag:$0x2] =	stream.linear.gather @!p0 [hbm4b:s22+s26], $0x400, $0x38;
	[tilespmem:$0x1CC00] =	vst v63  }
0xbb: {  	s21 =	sshll.u32 s25, $0xA  }
0xbc: {  	[tilespmem:s17], [sflag:$0x1] =	stream.indirect.gather [hbm4b:s1+s16], $0x80, s21, s16, $0xb8;
	[tilespmem:$0x1CC00] =	vst v63  }
0xbd: {  	_ =	swait.ge [sflag:s18], $0x4000  }
0xbe: {  	[sflag:s18] =	ssyncset.done $0x0  }
0xbf: {  	s25 =	sor.u32 $0x800, s21;
	[sflag:s18] =	ssyncadd.s32 $0xFFFFC000  }
0xc0: {  	[spmem:s2] =	stream.indirect.scatter.add.f32 [tilespmem:s17], [sflag:$0x3], $0x80, s25, s16, $0xb8;
	[tilespmem:$0x1CC00] =	vst v63  }
0xc1: {  	_ =	swait.ge [sflag:s14], $0x4000  }
0xc2: {  	[sflag:s14] =	ssyncset.done $0x0  }
0xc3: {  	s26 =	sor.u32 $0x80, s21;
	[sflag:s14] =	ssyncadd.s32 $0xFFFFC000  }
0xc4: {  	[tilespmem:s19], [sflag:$0x1] =	stream.indirect.gather [hbm4b:s1+s16], $0x80, s26, s16, $0xb8;
	[tilespmem:$0x1CC00] =	vst v63  }
0xc5: {  	_ =	swait.ge [sflag:s18], $0x4000  }
0xc6: {  	[sflag:s18] =	ssyncset.done $0x0  }
0xc7: {  	s28 =	sor.u32 $0x880, s21;
	[sflag:s18] =	ssyncadd.s32 $0xFFFFC000  }
0xc8: {  	[spmem:s2] =	stream.indirect.scatter.add.f32 [tilespmem:s19], [sflag:$0x3], $0x80, s28, s16, $0xb8;
	[tilespmem:$0x1CC00] =	vst v63  }
0xc9: {  	_ =	swait.ge [sflag:s14], $0x4000  }
0xca: {  	[sflag:s14] =	ssyncset.done $0x0  }
0xcb: {  	s29 =	sor.u32 $0x100, s21;
	[sflag:s14] =	ssyncadd.s32 $0xFFFFC000  }
0xcc: {  	[tilespmem:s17], [sflag:$0x1] =	stream.indirect.gather [hbm4b:s1+s16], $0x80, s29, s16, $0xb8;
	[tilespmem:$0x1CC00] =	vst v63  }
0xcd: {  	_ =	swait.ge [sflag:s18], $0x4000  }
0xce: {  	[sflag:s18] =	ssyncset.done $0x0  }
0xcf: {  	s30 =	sor.u32 $0x900, s21;
	[sflag:s18] =	ssyncadd.s32 $0xFFFFC000  }
0xd0: {  	[spmem:s2] =	stream.indirect.scatter.add.f32 [tilespmem:s17], [sflag:$0x3], $0x80, s30, s16, $0xb8;
	[tilespmem:$0x1CC00] =	vst v63  }
0xd1: {  	_ =	swait.ge [sflag:s14], $0x4000  }
0xd2: {  	[sflag:s14] =	ssyncset.done $0x0  }
0xd3: {  	s31 =	sor.u32 $0x180, s21;
	[sflag:s14] =	ssyncadd.s32 $0xFFFFC000  }
0xd4: {  	[tilespmem:s19], [sflag:$0x1] =	stream.indirect.gather [hbm4b:s1+s16], $0x80, s31, s16, $0xb8;
	[tilespmem:$0x1CC00] =	vst v63  }
0xd5: {  	_ =	swait.ge [sflag:s18], $0x4000  }
0xd6: {  	[sflag:s18] =	ssyncset.done $0x0  }
0xd7: {  	s23 =	sor.u32 $0x980, s21;
	[sflag:s18] =	ssyncadd.s32 $0xFFFFC000  }
0xd8: {  	[spmem:s2] =	stream.indirect.scatter.add.f32 [tilespmem:s19], [sflag:$0x3], $0x80, s23, s16, $0xb8;
	[tilespmem:$0x1CC00] =	vst v63  }
0xd9: {  	_ =	swait.ge [sflag:s14], $0x4000  }
0xda: {  	[sflag:s14] =	ssyncset.done $0x0  }
0xdb: {  	s24 =	sor.u32 $0x200, s21;
	[sflag:s14] =	ssyncadd.s32 $0xFFFFC000  }
0xdc: {  	[tilespmem:s17], [sflag:$0x1] =	stream.indirect.gather [hbm4b:s1+s16], $0x80, s24, s16, $0xb8;
	[tilespmem:$0x1CC00] =	vst v63  }
0xdd: {  	_ =	swait.ge [sflag:s18], $0x4000  }
0xde: {  	[sflag:s18] =	ssyncset.done $0x0  }
0xdf: {  	s25 =	sor.u32 $0xA00, s21;
	[sflag:s18] =	ssyncadd.s32 $0xFFFFC000  }
0xe0: {  	[spmem:s2] =	stream.indirect.scatter.add.f32 [tilespmem:s17], [sflag:$0x3], $0x80, s25, s16, $0xb8;
	[tilespmem:$0x1CC00] =	vst v63  }
0xe1: {  	_ =	swait.ge [sflag:s14], $0x4000  }
0xe2: {  	[sflag:s14] =	ssyncset.done $0x0  }
0xe3: {  	s26 =	sor.u32 $0x280, s21;
	[sflag:s14] =	ssyncadd.s32 $0xFFFFC000  }
0xe4: {  	[tilespmem:s19], [sflag:$0x1] =	stream.indirect.gather [hbm4b:s1+s16], $0x80, s26, s16, $0xb8;
	[tilespmem:$0x1CC00] =	vst v63  }
0xe5: {  	_ =	swait.ge [sflag:s18], $0x4000  }
0xe6: {  	[sflag:s18] =	ssyncset.done $0x0  }
0xe7: {  	s28 =	sor.u32 $0xA80, s21;
	[sflag:s18] =	ssyncadd.s32 $0xFFFFC000  }
0xe8: {  	[spmem:s2] =	stream.indirect.scatter.add.f32 [tilespmem:s19], [sflag:$0x3], $0x80, s28, s16, $0xb8;
	[tilespmem:$0x1CC00] =	vst v63  }
0xe9: {  	_ =	swait.ge [sflag:s14], $0x4000  }
0xea: {  	[sflag:s14] =	ssyncset.done $0x0  }
0xeb: {  	s29 =	sor.u32 $0x300, s21;
	[sflag:s14] =	ssyncadd.s32 $0xFFFFC000  }
0xec: {  	[tilespmem:s17], [sflag:$0x1] =	stream.indirect.gather [hbm4b:s1+s16], $0x80, s29, s16, $0xb8;
	[tilespmem:$0x1CC00] =	vst v63  }
0xed: {  	_ =	swait.ge [sflag:s18], $0x4000  }
0xee: {  	[sflag:s18] =	ssyncset.done $0x0  }
0xef: {  	s30 =	sor.u32 $0xB00, s21;
	[sflag:s18] =	ssyncadd.s32 $0xFFFFC000  }
0xf0: {  	[spmem:s2] =	stream.indirect.scatter.add.f32 [tilespmem:s17], [sflag:$0x3], $0x80, s30, s16, $0xb8;
	[tilespmem:$0x1CC00] =	vst v63  }
0xf1: {  	_ =	swait.ge [sflag:s14], $0x4000  }
0xf2: {  	[sflag:s14] =	ssyncset.done $0x0  }
0xf3: {  	s31 =	sor.u32 $0x380, s21;
	[sflag:s14] =	ssyncadd.s32 $0xFFFFC000  }
0xf4: {  	[tilespmem:s19], [sflag:$0x1] =	stream.indirect.gather [hbm4b:s1+s16], $0x80, s31, s16, $0xb8;
	[tilespmem:$0x1CC00] =	vst v63  }
0xf5: {  	_ =	swait.ge [sflag:s18], $0x4000  }
0xf6: {  	[sflag:s18] =	ssyncset.done $0x0  }
0xf7: {  	s22 =	simm.s32 @!p0 $0x2;
	[sflag:s18] =	ssyncadd.s32 $0xFFFFC000  }
0xf8: {  	_ =	swait.ge @!p0 [sflag:s22], $0x400  }
0xf9: {  	[sflag:s22] =	ssyncset.done @!p0 $0x0  }
0xfa: {  	[sflag:s22] =	ssyncadd.s32 @!p0 $0xFFFFFC00  }
0xfb: {  	_ =	swait.ge @!p0 [sflag:s22], $0x400  }
0xfc: {  	[sflag:s22] =	ssyncset.done @!p0 $0x0  }
0xfd: {  	s21 =	sadd.s32 $0xB80, s21;
	[sflag:s22] =	ssyncadd.s32 @!p0 $0xFFFFFC00  }
0xfe: {  	[spmem:s2] =	stream.indirect.scatter.add.f32 [tilespmem:s19], [sflag:$0x3], $0x80, s21, s16, $0xb8;
	[tilespmem:$0x1CC00] =	vst v63  }
0xff: {  	_ =	swait.ge [sflag:s14], $0x4000  }
0x100: {  	s20 =	sadd.s32 $0x1, s20;
	[sflag:s14] =	ssyncset.done $0x0  }
0x101: {  	p0 =	sne.s32 s20, s10;
	[sflag:s14] =	ssyncadd.s32 $0xFFFFC000  }
.Ltmp1:
0x102: {  	[bflag:$0x0] =	sbarrier.arrive $0xFFFF;
	(pc) =	sbr.rel @p0 .LBB2_1-.Ltmp1, $4  }
0x103: {  	[hbm:s9], [sflag:s6] =	dma.local [spmem:s13], $0x2780  }
0x104: {  	_ =	swait.ge [sflag:s14], $0x2780  }
0x105: {  	[sflag:s14] =	ssyncset.done $0x0  }
0x106: {  	[sflag:s14] =	ssyncadd.s32 $0xFFFFD880  }
0x107: {  	_ =	sfence.sel $0x180000  }
0x108: {  	[bflag:$0x0] =	sbarrier.arrive $0xFFFF  }
0x109: {  	p0 =	sne.s32 s3, $0x0;
	_ =	strace $0x90000047  }
0x10a: {  	s0 =	sadd.s32 @!p0 $0x100000, s0;
	[bflag:$0x2] =	sbarrier.arrive $0xFFFF  }
0x10b: {  	[sflag:s0] =	ssyncadd.tile.s32 @!p0 $0x1;
	_ =	shalt  }
.Lfunc_end2:
_tile_overlayer_lowered:
.L_overlay_start_2:
0x10c: {  	(tag) =	ssettag $0x2  }
0x10d: {  	s0 =	rddreg [dreg:$0x0];
	s2 =	stileid.u32  }
0x10e: {  	s1 =	rddreg [dreg:$0x1];
	p0 =	sne.s32 s2, $0x0  }
0x10f: {  	s3 =	rddreg [dreg:$0x2];
	[bflag:$0x3] =	sbarrier.arrive $0xFFFF;
	s2 =	simm.s32 @!p0 $0x1C03  }
0x110: {  	[timem:s3], [sflag:s2] =	dma.local @!p0 [hbm:s0], s1  }
0x111: {  	s0 =	simm.s32 @!p0 $0x3  }
0x112: {  	_ =	swait.ge @!p0 [sflag:s0], s1  }
0x113: {  	s1 =	ssub.s32 @!p0 $0x0, s1;
	[sflag:s0] =	ssyncset.done @!p0 $0x0  }
0x114: {  	[sflag:s0] =	ssyncadd.s32 @!p0 s1  }
0x115: {  	[bflag:$0x3] =	sbarrier.arrive $0xFFFF  }
0x116: {  	_ =	shalt  }

</sc_bundles>
